<compile_context>
chip_gen: v7x
topology: tpu7x:2x2x1
jax: 0.10.2.dev20260603
libtpu: 0.0.44.dev20260713+nightly
codegen_flags: <defaults>
</compile_context>

<pallas_src>
import dataclasses
import functools

import jax
import jax.numpy as jnp
from jax import lax
from jax.experimental import pallas as pl
from jax.experimental.pallas import tpu as pltpu
from jax.experimental.pallas import tpu_sc as plsc

N = 10000
E = 320000
F_IN = 128
H = 8
C = 16
HC = H * C
NEG_SLOPE = 0.2

NUM_SC = 2
NUM_SUB = 16
NW = NUM_SC * NUM_SUB
EDGES_PER_W = E // NW
CHUNK = 80
NCHUNK = EDGES_PER_W // CHUNK
NP = 10240
ROWS_PER_SUB = NP // NUM_SUB


def _proj_body(x_ref, w_ref, ab_ref, xw_ref, as_ref, ad_ref):
    xw = jnp.dot(x_ref[...], w_ref[...], preferred_element_type=jnp.float32)
    xw_ref[...] = xw
    ab = jnp.dot(xw, ab_ref[...], preferred_element_type=jnp.float32)
    as_ref[...] = ab[:, :16]
    ad_ref[...] = ab[:, 16:]


def _project(x, W, AB):
    blk = 400
    grid = (N // blk,)
    return pl.pallas_call(
        _proj_body,
        grid=grid,
        in_specs=[
            pl.BlockSpec((blk, F_IN), lambda i: (i, 0)),
            pl.BlockSpec((F_IN, HC), lambda i: (0, 0)),
            pl.BlockSpec((F_IN, 32), lambda i: (0, 0)),
        ],
        out_specs=[
            pl.BlockSpec((blk, HC), lambda i: (i, 0)),
            pl.BlockSpec((blk, 16), lambda i: (i, 0)),
            pl.BlockSpec((blk, 16), lambda i: (i, 0)),
        ],
        out_shape=[
            jax.ShapeDtypeStruct((N, HC), jnp.float32),
            jax.ShapeDtypeStruct((N, 16), jnp.float32),
            jax.ShapeDtypeStruct((N, 16), jnp.float32),
        ],
    )(x, W, AB)


def _sc_edge_kernel(src, dst, asrc, adst, xw, zeros128, zeros16):
    mesh = plsc.VectorSubcoreMesh(core_axis_name="c", subcore_axis_name="s")
    cp = pltpu.CompilerParams()
    if "needs_layout_passes" in pltpu.CompilerParams.__dataclass_fields__:
        cp = dataclasses.replace(cp, needs_layout_passes=False)
    if "use_tc_tiling_on_sc" in pltpu.CompilerParams.__dataclass_fields__:
        cp = dataclasses.replace(cp, use_tc_tiling_on_sc=False)

    @functools.partial(
        pl.kernel,
        mesh=mesh,
        compiler_params=cp,
        out_type=[
            jax.ShapeDtypeStruct((NUM_SC, NP, HC), jnp.float32),
            jax.ShapeDtypeStruct((NUM_SC, NP, 16), jnp.float32),
        ],
        scratch_types=[
            pltpu.VMEM((1, CHUNK), jnp.int32),
            pltpu.VMEM((1, CHUNK), jnp.int32),
            pltpu.VMEM((CHUNK, 16), jnp.float32),
            pltpu.VMEM((CHUNK, 16), jnp.float32),
            pltpu.VMEM((CHUNK, 16), jnp.float32),
            pltpu.VMEM((CHUNK, HC), jnp.float32),
            pltpu.VMEM((CHUNK, HC), jnp.float32),
            pltpu.VMEM_SHARED((NP, HC), jnp.float32),
            pltpu.VMEM_SHARED((NP, 16), jnp.float32),
        ],
    )
    def k(src_hbm, dst_hbm, asrc_hbm, adst_hbm, xw_hbm, z128_hbm, z16_hbm,
          acc_out, den_out, sidx, didx, gsrc, gdst, exv, xwv, msg,
          acc_sh, den_sh):
        cid = lax.axis_index("c")
        sid = lax.axis_index("s")
        wid = sid * NUM_SC + cid
        r0 = sid * ROWS_PER_SUB

        pltpu.sync_copy(z128_hbm.at[pl.ds(r0, ROWS_PER_SUB), :],
                        acc_sh.at[pl.ds(r0, ROWS_PER_SUB), :])
        pltpu.sync_copy(z16_hbm.at[pl.ds(r0, ROWS_PER_SUB), :],
                        den_sh.at[pl.ds(r0, ROWS_PER_SUB), :])
        plsc.subcore_barrier()

        ebase = wid * EDGES_PER_W

        @pl.loop(0, NCHUNK)
        def _chunk(ci):
            base = ebase + ci * CHUNK
            pltpu.sync_copy(src_hbm.at[pl.ds(base, CHUNK)], sidx.at[0])
            pltpu.sync_copy(dst_hbm.at[pl.ds(base, CHUNK)], didx.at[0])
            pltpu.sync_copy(asrc_hbm.at[sidx.at[0]], gsrc)
            pltpu.sync_copy(adst_hbm.at[didx.at[0]], gdst)
            pltpu.sync_copy(xw_hbm.at[sidx.at[0]], xwv)

            @pl.loop(0, CHUNK)
            def _edge(e):
                v = gsrc[e, :] + gdst[e, :]
                lk = jnp.maximum(v, v * NEG_SLOPE)
                ex = jnp.exp(lk)
                exv[e, :] = ex
                for h in range(H):
                    xr = xwv[e, pl.ds(h * 16, 16)]
                    cb = plsc.load_gather(
                        exv,
                        [jnp.full((16,), e, jnp.int32),
                         jnp.full((16,), h, jnp.int32)],
                    )
                    msg[e, pl.ds(h * 16, 16)] = xr * cb

            pltpu.sync_copy(exv, den_sh.at[didx.at[0]], add=True)
            pltpu.sync_copy(msg, acc_sh.at[didx.at[0]], add=True)

        plsc.subcore_barrier()
        pltpu.sync_copy(acc_sh.at[pl.ds(r0, ROWS_PER_SUB), :],
                        acc_out.at[cid, pl.ds(r0, ROWS_PER_SUB), :])
        pltpu.sync_copy(den_sh.at[pl.ds(r0, ROWS_PER_SUB), :],
                        den_out.at[cid, pl.ds(r0, ROWS_PER_SUB), :])

    return k(src, dst, asrc, adst, xw, zeros128, zeros16)


def _norm_body(a0_ref, a1_ref, d0_ref, d1_ref, b_ref, out_ref):
    acc = a0_ref[...] + a1_ref[...]
    den = d0_ref[...] + d1_ref[...]
    for h in range(H):
        dh = den[:, h:h + 1]
        safe = jnp.where(dh == 0.0, 1.0, dh)
        sl = slice(h * 16, (h + 1) * 16)
        out_ref[:, sl] = acc[:, sl] / safe + b_ref[:, sl]


def _normalize(acc0, acc1, den0, den1, bias2d):
    blk = 640
    grid = (NP // blk,)
    return pl.pallas_call(
        _norm_body,
        grid=grid,
        in_specs=[
            pl.BlockSpec((blk, HC), lambda i: (i, 0)),
            pl.BlockSpec((blk, HC), lambda i: (i, 0)),
            pl.BlockSpec((blk, 16), lambda i: (i, 0)),
            pl.BlockSpec((blk, 16), lambda i: (i, 0)),
            pl.BlockSpec((1, HC), lambda i: (0, 0)),
        ],
        out_specs=pl.BlockSpec((blk, HC), lambda i: (i, 0)),
        out_shape=jax.ShapeDtypeStruct((NP, HC), jnp.float32),
    )(acc0, acc1, den0, den1, bias2d)


def kernel(x, edge_index, W, att_src, att_dst, bias):
    src = edge_index[0]
    dst = edge_index[1]

    eye = jnp.eye(H, dtype=jnp.float32)
    ms = (att_src[0][:, :, None] * eye[:, None, :]).reshape(HC, H)
    md = (att_dst[0][:, :, None] * eye[:, None, :]).reshape(HC, H)
    AB = jnp.concatenate([ms, ms, md, md], axis=1)

    xw, asrc_p, adst_p = _project(x, W, AB)

    zeros128 = jnp.zeros((NP, HC), jnp.float32)
    zeros16 = jnp.zeros((NP, 16), jnp.float32)
    acc_p, den_p = _sc_edge_kernel(src, dst, asrc_p, adst_p, xw,
                                   zeros128, zeros16)

    out = _normalize(acc_p[0], acc_p[1], den_p[0], den_p[1],
                     bias.reshape(1, HC))
    return out[:N]

# --- scband reference (transcript-rebuilt; emitter-appended) ---
"""Pipeline reference for scband-gat-63496796504812 (READ-ONLY COPY).

The authoritative reference and input builder live on the scoring server;
editing this copy changes nothing except your own understanding.
"""

import jax, jax.numpy as jnp
import numpy as np

N = 10000
E = 320000
F_IN = 128
H = 8
C = 16
NEG_SLOPE = 0.2


def setup_inputs(seed: int = 0) -> dict:
    key = jax.random.key(seed)
    k1, k2, k3, k4, k5 = jax.random.split(key, 5)
    x = jax.random.normal(k1, (N, F_IN), dtype=jnp.float32)
    edge_index = jax.random.randint(k2, (2, E), 0, N, dtype=jnp.int32)
    # GATConv params (PyG-style): shared linear for src/dst, per-head attention vectors, bias
    W = jax.random.normal(k3, (F_IN, H * C), dtype=jnp.float32) * 0.05
    att_src = jax.random.normal(k4, (1, H, C), dtype=jnp.float32) * 0.05
    att_dst = jax.random.normal(k5, (1, H, C), dtype=jnp.float32) * 0.05
    bias = jnp.zeros((H * C,), dtype=jnp.float32)
    return {"x": x, "edge_index": edge_index, "W": W, "att_src": att_src, "att_dst": att_dst, "bias": bias}


def reference(x, edge_index, W, att_src, att_dst, bias):
    # GAT forward in eval mode (dropout=0): out = GATConv(x, edge_index), heads concat
    src = edge_index[0]
    dst = edge_index[1]
    xw = (x @ W).reshape(N, H, C)                       # linear projection per head
    a_src = (xw * att_src).sum(axis=-1)                 # [N, H]
    a_dst = (xw * att_dst).sum(axis=-1)                 # [N, H]
    alpha = a_src[src] + a_dst[dst]                     # gather -> [E, H]
    alpha = jax.nn.leaky_relu(alpha, NEG_SLOPE)
    # softmax over incoming edges of each dst node (segment softmax)
    amax = jax.ops.segment_max(alpha, dst, num_segments=N)
    amax = jnp.where(jnp.isfinite(amax), amax, 0.0)
    ex = jnp.exp(alpha - amax[dst])
    denom = jax.ops.segment_sum(ex, dst, num_segments=N)
    coef = ex / (denom[dst] + 1e-16)                    # [E, H]
    msgs = xw[src] * coef[:, :, None]                   # gather + weight -> [E, H, C]
    out = jax.ops.segment_sum(msgs, dst, num_segments=N)  # scatter-add -> [N, H, C]
    return out.reshape(N, H * C) + bias

if __name__ == "__main__":
    import jax
    _d = setup_inputs()
    print(jax.jit(kernel)(*tuple(_d.values())))

</pallas_src>

<mosaic_0001>
#map = affine_map<(d0, d1) -> (0)>
#map1 = affine_map<(d0, d1) -> (0, 0)>
#map2 = affine_map<(d0, d1) -> (0, 0, 0)>
module attributes {stable_mosaic.version = 14 : i64} {
  func.func @k(%arg0: i32, %arg1: i32, %arg2: memref<320000xi32, #tpu.memory_space<hbm>>, %arg3: memref<320000xi32, #tpu.memory_space<hbm>>, %arg4: memref<10000x16xf32, #tpu.memory_space<hbm>>, %arg5: memref<10000x16xf32, #tpu.memory_space<hbm>>, %arg6: memref<10000x128xf32, #tpu.memory_space<hbm>>, %arg7: memref<10240x128xf32, #tpu.memory_space<hbm>>, %arg8: memref<10240x16xf32, #tpu.memory_space<hbm>>, %arg9: memref<2x10240x128xf32, #tpu.memory_space<hbm>>, %arg10: memref<2x10240x16xf32, #tpu.memory_space<hbm>>, %arg11: memref<1x80xi32, #tpu.memory_space<vmem>>, %arg12: memref<1x80xi32, #tpu.memory_space<vmem>>, %arg13: memref<80x16xf32, #tpu.memory_space<vmem>>, %arg14: memref<80x16xf32, #tpu.memory_space<vmem>>, %arg15: memref<80x16xf32, #tpu.memory_space<vmem>>, %arg16: memref<80x128xf32, #tpu.memory_space<vmem>>, %arg17: memref<80x128xf32, #tpu.memory_space<vmem>>, %arg18: memref<10240x128xf32, #tpu.memory_space<vmem_shared>>, %arg19: memref<10240x16xf32, #tpu.memory_space<vmem_shared>>) attributes {dimension_semantics = [#tpu.dimension_semantics<core_parallel>, #tpu.dimension_semantics<subcore_parallel>], iteration_bounds = array<i64: 2, 16>, scalar_prefetch = 0 : i64, scratch_operands = 9 : i64, tpu.core_type = #tpu.core_type<sc_vector_subcore>, window_params = [{transform_indices = #map}, {transform_indices = #map}, {transform_indices = #map1}, {transform_indices = #map1}, {transform_indices = #map1}, {transform_indices = #map1}, {transform_indices = #map1}, {transform_indices = #map2}, {transform_indices = #map2}]} {
    %mul3A = arith.constant 2 : i32
    %mul3A_0 = arith.muli %arg1, %mul3A : i32
    %add3A = arith.addi %mul3A_0, %arg0 : i32
    %mul3A_1 = arith.constant 640 : i32
    %mul3A_2 = arith.muli %arg1, %mul3A_1 : i32
    "tpu.region"() ({
      %run_scoped3A = tpu.sem_alloc : memref<!tpu.dma_semaphore, #tpu.memory_space<semaphore_mem>>
      %dma_start3A = arith.constant 0 : i32
      %dma_start3A_10 = tpu.memref_slice %arg18[%mul3A_2, %dma_start3A] : memref<10240x128xf32, #tpu.memory_space<vmem_shared>> -> memref<640x128xf32, #tpu.memory_space<vmem_shared>>
      %dma_start3A_11 = arith.constant 0 : i32
      %dma_start3A_12 = tpu.memref_slice %arg7[%mul3A_2, %dma_start3A_11] : memref<10240x128xf32, #tpu.memory_space<hbm>> -> memref<640x128xf32, #tpu.memory_space<hbm>>
      tpu.enqueue_dma source(%dma_start3A_12 : memref<640x128xf32, #tpu.memory_space<hbm>>) target(%dma_start3A_10 : memref<640x128xf32, #tpu.memory_space<vmem_shared>>) target_semaphore(%run_scoped3A : memref<!tpu.dma_semaphore, #tpu.memory_space<semaphore_mem>>)
      %dma_wait3A = arith.constant 0 : i32
      %dma_wait3A_13 = tpu.memref_slice %arg18[%mul3A_2, %dma_wait3A] : memref<10240x128xf32, #tpu.memory_space<vmem_shared>> -> memref<640x128xf32, #tpu.memory_space<vmem_shared>>
      %dma_wait3A_14 = arith.constant 0 : i32
      %dma_wait3A_15 = tpu.memref_slice %arg7[%mul3A_2, %dma_wait3A_14] : memref<10240x128xf32, #tpu.memory_space<hbm>> -> memref<640x128xf32, #tpu.memory_space<hbm>>
      tpu.wait_dma2 semaphore(%run_scoped3A : memref<!tpu.dma_semaphore, #tpu.memory_space<semaphore_mem>>) src(%dma_wait3A_15 : memref<640x128xf32, #tpu.memory_space<hbm>>) dst(%dma_wait3A_13 : memref<640x128xf32, #tpu.memory_space<vmem_shared>>)
      tpu.yield
    }) : () -> ()
    "tpu.region"() ({
      %run_scoped3A = tpu.sem_alloc : memref<!tpu.dma_semaphore, #tpu.memory_space<semaphore_mem>>
      %dma_start3A = arith.constant 0 : i32
      %dma_start3A_10 = tpu.memref_slice %arg19[%mul3A_2, %dma_start3A] : memref<10240x16xf32, #tpu.memory_space<vmem_shared>> -> memref<640x16xf32, #tpu.memory_space<vmem_shared>>
      %dma_start3A_11 = arith.constant 0 : i32
      %dma_start3A_12 = tpu.memref_slice %arg8[%mul3A_2, %dma_start3A_11] : memref<10240x16xf32, #tpu.memory_space<hbm>> -> memref<640x16xf32, #tpu.memory_space<hbm>>
      tpu.enqueue_dma source(%dma_start3A_12 : memref<640x16xf32, #tpu.memory_space<hbm>>) target(%dma_start3A_10 : memref<640x16xf32, #tpu.memory_space<vmem_shared>>) target_semaphore(%run_scoped3A : memref<!tpu.dma_semaphore, #tpu.memory_space<semaphore_mem>>)
      %dma_wait3A = arith.constant 0 : i32
      %dma_wait3A_13 = tpu.memref_slice %arg19[%mul3A_2, %dma_wait3A] : memref<10240x16xf32, #tpu.memory_space<vmem_shared>> -> memref<640x16xf32, #tpu.memory_space<vmem_shared>>
      %dma_wait3A_14 = arith.constant 0 : i32
      %dma_wait3A_15 = tpu.memref_slice %arg8[%mul3A_2, %dma_wait3A_14] : memref<10240x16xf32, #tpu.memory_space<hbm>> -> memref<640x16xf32, #tpu.memory_space<hbm>>
      tpu.wait_dma2 semaphore(%run_scoped3A : memref<!tpu.dma_semaphore, #tpu.memory_space<semaphore_mem>>) src(%dma_wait3A_15 : memref<640x16xf32, #tpu.memory_space<hbm>>) dst(%dma_wait3A_13 : memref<640x16xf32, #tpu.memory_space<vmem_shared>>)
      tpu.yield
    }) : () -> ()
    %barrier3A = arith.constant 0 : index
    tpu.barrier barrier_id(%barrier3A)
    %mul3A_3 = arith.constant 10000 : i32
    %mul3A_4 = arith.muli %add3A, %mul3A_3 : i32
    %scan3A = arith.constant 0 : i32
    %scan3A_5 = arith.constant 125 : i32
    %scan3A_6 = arith.addi %scan3A, %scan3A_5 : i32
    %scan3A_7 = arith.constant 1 : i32
    scf.for %scan3A_10 = %scan3A to %scan3A_6 step %scan3A_7  : i32 {
      %mul3A_11 = arith.constant 1 : i32
      %mul3A_12 = arith.muli %scan3A_10, %mul3A_11 : i32
      %add3A_13 = arith.constant 0 : i32
      %add3A_14 = arith.addi %add3A_13, %mul3A_12 : i32
      %mul3A_15 = arith.constant 80 : i32
      %mul3A_16 = arith.muli %add3A_14, %mul3A_15 : i32
      %add3A_17 = arith.addi %mul3A_4, %mul3A_16 : i32
      %run_scoped3A = arith.constant 0 : i32
      "tpu.region"() ({
        %run_scoped3A_29 = tpu.sem_alloc : memref<!tpu.dma_semaphore, #tpu.memory_space<semaphore_mem>>
        %dma_start3A = arith.constant 0 : i32
        %dma_start3A_30 = tpu.memref_slice %arg11[%run_scoped3A, %dma_start3A] : memref<1x80xi32, #tpu.memory_space<vmem>> -> memref<1x80xi32, #tpu.memory_space<vmem>>
        %dma_start3A_31 = tpu.memref_squeeze %dma_start3A_30 : memref<1x80xi32, #tpu.memory_space<vmem>> -> memref<80xi32, #tpu.memory_space<vmem>>
        %dma_start3A_32 = tpu.memref_slice %arg2[%add3A_17] : memref<320000xi32, #tpu.memory_space<hbm>> -> memref<80xi32, #tpu.memory_space<hbm>>
        %dma_start3A_33 = arith.constant 0 : i32
        %dma_start3A_34 = tpu.memref_slice %arg11[%run_scoped3A, %dma_start3A_33] : memref<1x80xi32, #tpu.memory_space<vmem>> -> memref<1x80xi32, #tpu.memory_space<vmem>>
        %dma_start3A_35 = tpu.memref_squeeze %dma_start3A_34 : memref<1x80xi32, #tpu.memory_space<vmem>> -> memref<80xi32, #tpu.memory_space<vmem>>
        %dma_start3A_36 = tpu.memref_slice %arg2[%add3A_17] : memref<320000xi32, #tpu.memory_space<hbm>> -> memref<80xi32, #tpu.memory_space<hbm>>
        tpu.enqueue_dma source(%dma_start3A_36 : memref<80xi32, #tpu.memory_space<hbm>>) target(%dma_start3A_35 : memref<80xi32, #tpu.memory_space<vmem>>) target_semaphore(%run_scoped3A_29 : memref<!tpu.dma_semaphore, #tpu.memory_space<semaphore_mem>>)
        %dma_wait3A = arith.constant 0 : i32
        %dma_wait3A_37 = tpu.memref_slice %arg11[%run_scoped3A, %dma_wait3A] : memref<1x80xi32, #tpu.memory_space<vmem>> -> memref<1x80xi32, #tpu.memory_space<vmem>>
        %dma_wait3A_38 = tpu.memref_squeeze %dma_wait3A_37 : memref<1x80xi32, #tpu.memory_space<vmem>> -> memref<80xi32, #tpu.memory_space<vmem>>
        %dma_wait3A_39 = tpu.memref_slice %arg2[%add3A_17] : memref<320000xi32, #tpu.memory_space<hbm>> -> memref<80xi32, #tpu.memory_space<hbm>>
        %dma_wait3A_40 = arith.constant 0 : i32
        %dma_wait3A_41 = tpu.memref_slice %arg11[%run_scoped3A, %dma_wait3A_40] : memref<1x80xi32, #tpu.memory_space<vmem>> -> memref<1x80xi32, #tpu.memory_space<vmem>>
        %dma_wait3A_42 = tpu.memref_squeeze %dma_wait3A_41 : memref<1x80xi32, #tpu.memory_space<vmem>> -> memref<80xi32, #tpu.memory_space<vmem>>
        %dma_wait3A_43 = tpu.memref_slice %arg2[%add3A_17] : memref<320000xi32, #tpu.memory_space<hbm>> -> memref<80xi32, #tpu.memory_space<hbm>>
        tpu.wait_dma2 semaphore(%run_scoped3A_29 : memref<!tpu.dma_semaphore, #tpu.memory_space<semaphore_mem>>) src(%dma_wait3A_43 : memref<80xi32, #tpu.memory_space<hbm>>) dst(%dma_wait3A_42 : memref<80xi32, #tpu.memory_space<vmem>>)
        tpu.yield
      }) : () -> ()
      %run_scoped3A_18 = arith.constant 0 : i32
      "tpu.region"() ({
        %run_scoped3A_29 = tpu.sem_alloc : memref<!tpu.dma_semaphore, #tpu.memory_space<semaphore_mem>>
        %dma_start3A = arith.constant 0 : i32
        %dma_start3A_30 = tpu.memref_slice %arg12[%run_scoped3A_18, %dma_start3A] : memref<1x80xi32, #tpu.memory_space<vmem>> -> memref<1x80xi32, #tpu.memory_space<vmem>>
        %dma_start3A_31 = tpu.memref_squeeze %dma_start3A_30 : memref<1x80xi32, #tpu.memory_space<vmem>> -> memref<80xi32, #tpu.memory_space<vmem>>
        %dma_start3A_32 = tpu.memref_slice %arg3[%add3A_17] : memref<320000xi32, #tpu.memory_space<hbm>> -> memref<80xi32, #tpu.memory_space<hbm>>
        %dma_start3A_33 = arith.constant 0 : i32
        %dma_start3A_34 = tpu.memref_slice %arg12[%run_scoped3A_18, %dma_start3A_33] : memref<1x80xi32, #tpu.memory_space<vmem>> -> memref<1x80xi32, #tpu.memory_space<vmem>>
        %dma_start3A_35 = tpu.memref_squeeze %dma_start3A_34 : memref<1x80xi32, #tpu.memory_space<vmem>> -> memref<80xi32, #tpu.memory_space<vmem>>
        %dma_start3A_36 = tpu.memref_slice %arg3[%add3A_17] : memref<320000xi32, #tpu.memory_space<hbm>> -> memref<80xi32, #tpu.memory_space<hbm>>
        tpu.enqueue_dma source(%dma_start3A_36 : memref<80xi32, #tpu.memory_space<hbm>>) target(%dma_start3A_35 : memref<80xi32, #tpu.memory_space<vmem>>) target_semaphore(%run_scoped3A_29 : memref<!tpu.dma_semaphore, #tpu.memory_space<semaphore_mem>>)
        %dma_wait3A = arith.constant 0 : i32
        %dma_wait3A_37 = tpu.memref_slice %arg12[%run_scoped3A_18, %dma_wait3A] : memref<1x80xi32, #tpu.memory_space<vmem>> -> memref<1x80xi32, #tpu.memory_space<vmem>>
        %dma_wait3A_38 = tpu.memref_squeeze %dma_wait3A_37 : memref<1x80xi32, #tpu.memory_space<vmem>> -> memref<80xi32, #tpu.memory_space<vmem>>
        %dma_wait3A_39 = tpu.memref_slice %arg3[%add3A_17] : memref<320000xi32, #tpu.memory_space<hbm>> -> memref<80xi32, #tpu.memory_space<hbm>>
        %dma_wait3A_40 = arith.constant 0 : i32
        %dma_wait3A_41 = tpu.memref_slice %arg12[%run_scoped3A_18, %dma_wait3A_40] : memref<1x80xi32, #tpu.memory_space<vmem>> -> memref<1x80xi32, #tpu.memory_space<vmem>>
        %dma_wait3A_42 = tpu.memref_squeeze %dma_wait3A_41 : memref<1x80xi32, #tpu.memory_space<vmem>> -> memref<80xi32, #tpu.memory_space<vmem>>
        %dma_wait3A_43 = tpu.memref_slice %arg3[%add3A_17] : memref<320000xi32, #tpu.memory_space<hbm>> -> memref<80xi32, #tpu.memory_space<hbm>>
        tpu.wait_dma2 semaphore(%run_scoped3A_29 : memref<!tpu.dma_semaphore, #tpu.memory_space<semaphore_mem>>) src(%dma_wait3A_43 : memref<80xi32, #tpu.memory_space<hbm>>) dst(%dma_wait3A_42 : memref<80xi32, #tpu.memory_space<vmem>>)
        tpu.yield
      }) : () -> ()
      %run_scoped3A_19 = arith.constant 0 : i32
      "tpu.region"() ({
        %run_scoped3A_29 = tpu.sem_alloc : memref<!tpu.dma_semaphore, #tpu.memory_space<semaphore_mem>>
        %dma_start3A = arith.constant 0 : i32
        %dma_start3A_30 = tpu.memref_slice %arg11[%run_scoped3A_19, %dma_start3A] : memref<1x80xi32, #tpu.memory_space<vmem>> -> memref<1x80xi32, #tpu.memory_space<vmem>>
        %dma_start3A_31 = tpu.memref_squeeze %dma_start3A_30 : memref<1x80xi32, #tpu.memory_space<vmem>> -> memref<80xi32, #tpu.memory_space<vmem>>
        %dma_start3A_32 = arith.constant 0 : i32
        %dma_start3A_33 = arith.constant 0 : i32
        %dma_start3A_34 = tpu.memref_slice %arg4[%dma_start3A_32, %dma_start3A_33] : memref<10000x16xf32, #tpu.memory_space<hbm>> -> memref<10000x16xf32, #tpu.memory_space<hbm>>
        tpu.enqueue_indirect_dma source(%dma_start3A_34 : memref<10000x16xf32, #tpu.memory_space<hbm>>) target(%arg13 : memref<80x16xf32, #tpu.memory_space<vmem>>) offsets(%dma_start3A_31 : memref<80xi32, #tpu.memory_space<vmem>>) semaphore(%run_scoped3A_29 : memref<!tpu.dma_semaphore, #tpu.memory_space<semaphore_mem>>)
        %dma_wait3A = arith.constant 0 : i32
        %dma_wait3A_35 = tpu.memref_slice %arg11[%run_scoped3A_19, %dma_wait3A] : memref<1x80xi32, #tpu.memory_space<vmem>> -> memref<1x80xi32, #tpu.memory_space<vmem>>
        %dma_wait3A_36 = tpu.memref_squeeze %dma_wait3A_35 : memref<1x80xi32, #tpu.memory_space<vmem>> -> memref<80xi32, #tpu.memory_space<vmem>>
        %dma_wait3A_37 = arith.constant 0 : i32
        %dma_wait3A_38 = arith.constant 0 : i32
        %dma_wait3A_39 = tpu.memref_slice %arg4[%dma_wait3A_37, %dma_wait3A_38] : memref<10000x16xf32, #tpu.memory_space<hbm>> -> memref<10000x16xf32, #tpu.memory_space<hbm>>
        tpu.wait_indirect_dma semaphore(%run_scoped3A_29 : memref<!tpu.dma_semaphore, #tpu.memory_space<semaphore_mem>>) src(%dma_wait3A_39 : memref<10000x16xf32, #tpu.memory_space<hbm>>) dst(%arg13 : memref<80x16xf32, #tpu.memory_space<vmem>>)
        tpu.yield
      }) : () -> ()
      %run_scoped3A_20 = arith.constant 0 : i32
      "tpu.region"() ({
        %run_scoped3A_29 = tpu.sem_alloc : memref<!tpu.dma_semaphore, #tpu.memory_space<semaphore_mem>>
        %dma_start3A = arith.constant 0 : i32
        %dma_start3A_30 = tpu.memref_slice %arg12[%run_scoped3A_20, %dma_start3A] : memref<1x80xi32, #tpu.memory_space<vmem>> -> memref<1x80xi32, #tpu.memory_space<vmem>>
        %dma_start3A_31 = tpu.memref_squeeze %dma_start3A_30 : memref<1x80xi32, #tpu.memory_space<vmem>> -> memref<80xi32, #tpu.memory_space<vmem>>
        %dma_start3A_32 = arith.constant 0 : i32
        %dma_start3A_33 = arith.constant 0 : i32
        %dma_start3A_34 = tpu.memref_slice %arg5[%dma_start3A_32, %dma_start3A_33] : memref<10000x16xf32, #tpu.memory_space<hbm>> -> memref<10000x16xf32, #tpu.memory_space<hbm>>
        tpu.enqueue_indirect_dma source(%dma_start3A_34 : memref<10000x16xf32, #tpu.memory_space<hbm>>) target(%arg14 : memref<80x16xf32, #tpu.memory_space<vmem>>) offsets(%dma_start3A_31 : memref<80xi32, #tpu.memory_space<vmem>>) semaphore(%run_scoped3A_29 : memref<!tpu.dma_semaphore, #tpu.memory_space<semaphore_mem>>)
        %dma_wait3A = arith.constant 0 : i32
        %dma_wait3A_35 = tpu.memref_slice %arg12[%run_scoped3A_20, %dma_wait3A] : memref<1x80xi32, #tpu.memory_space<vmem>> -> memref<1x80xi32, #tpu.memory_space<vmem>>
        %dma_wait3A_36 = tpu.memref_squeeze %dma_wait3A_35 : memref<1x80xi32, #tpu.memory_space<vmem>> -> memref<80xi32, #tpu.memory_space<vmem>>
        %dma_wait3A_37 = arith.constant 0 : i32
        %dma_wait3A_38 = arith.constant 0 : i32
        %dma_wait3A_39 = tpu.memref_slice %arg5[%dma_wait3A_37, %dma_wait3A_38] : memref<10000x16xf32, #tpu.memory_space<hbm>> -> memref<10000x16xf32, #tpu.memory_space<hbm>>
        tpu.wait_indirect_dma semaphore(%run_scoped3A_29 : memref<!tpu.dma_semaphore, #tpu.memory_space<semaphore_mem>>) src(%dma_wait3A_39 : memref<10000x16xf32, #tpu.memory_space<hbm>>) dst(%arg14 : memref<80x16xf32, #tpu.memory_space<vmem>>)
        tpu.yield
      }) : () -> ()
      %run_scoped3A_21 = arith.constant 0 : i32
      "tpu.region"() ({
        %run_scoped3A_29 = tpu.sem_alloc : memref<!tpu.dma_semaphore, #tpu.memory_space<semaphore_mem>>
        %dma_start3A = arith.constant 0 : i32
        %dma_start3A_30 = tpu.memref_slice %arg11[%run_scoped3A_21, %dma_start3A] : memref<1x80xi32, #tpu.memory_space<vmem>> -> memref<1x80xi32, #tpu.memory_space<vmem>>
        %dma_start3A_31 = tpu.memref_squeeze %dma_start3A_30 : memref<1x80xi32, #tpu.memory_space<vmem>> -> memref<80xi32, #tpu.memory_space<vmem>>
        %dma_start3A_32 = arith.constant 0 : i32
        %dma_start3A_33 = arith.constant 0 : i32
        %dma_start3A_34 = tpu.memref_slice %arg6[%dma_start3A_32, %dma_start3A_33] : memref<10000x128xf32, #tpu.memory_space<hbm>> -> memref<10000x128xf32, #tpu.memory_space<hbm>>
        tpu.enqueue_indirect_dma source(%dma_start3A_34 : memref<10000x128xf32, #tpu.memory_space<hbm>>) target(%arg16 : memref<80x128xf32, #tpu.memory_space<vmem>>) offsets(%dma_start3A_31 : memref<80xi32, #tpu.memory_space<vmem>>) semaphore(%run_scoped3A_29 : memref<!tpu.dma_semaphore, #tpu.memory_space<semaphore_mem>>)
        %dma_wait3A = arith.constant 0 : i32
        %dma_wait3A_35 = tpu.memref_slice %arg11[%run_scoped3A_21, %dma_wait3A] : memref<1x80xi32, #tpu.memory_space<vmem>> -> memref<1x80xi32, #tpu.memory_space<vmem>>
        %dma_wait3A_36 = tpu.memref_squeeze %dma_wait3A_35 : memref<1x80xi32, #tpu.memory_space<vmem>> -> memref<80xi32, #tpu.memory_space<vmem>>
        %dma_wait3A_37 = arith.constant 0 : i32
        %dma_wait3A_38 = arith.constant 0 : i32
        %dma_wait3A_39 = tpu.memref_slice %arg6[%dma_wait3A_37, %dma_wait3A_38] : memref<10000x128xf32, #tpu.memory_space<hbm>> -> memref<10000x128xf32, #tpu.memory_space<hbm>>
        tpu.wait_indirect_dma semaphore(%run_scoped3A_29 : memref<!tpu.dma_semaphore, #tpu.memory_space<semaphore_mem>>) src(%dma_wait3A_39 : memref<10000x128xf32, #tpu.memory_space<hbm>>) dst(%arg16 : memref<80x128xf32, #tpu.memory_space<vmem>>)
        tpu.yield
      }) : () -> ()
      %scan3A_22 = arith.constant 0 : i32
      %scan3A_23 = arith.constant 80 : i32
      %scan3A_24 = arith.addi %scan3A_22, %scan3A_23 : i32
      %scan3A_25 = arith.constant 1 : i32
      scf.for %scan3A_29 = %scan3A_22 to %scan3A_24 step %scan3A_25  : i32 {
        %mul3A_30 = arith.constant 1 : i32
        %mul3A_31 = arith.muli %scan3A_29, %mul3A_30 : i32
        %add3A_32 = arith.constant 0 : i32
        %add3A_33 = arith.addi %add3A_32, %mul3A_31 : i32
        %get3A = arith.index_cast %add3A_33 : i32 to index
        %get3A_34 = arith.constant 0 : index
        %get3A_35 = tpu.vector_load %arg13[%get3A, %get3A_34] {strides = array<i32>} : memref<80x16xf32, #tpu.memory_space<vmem>>, vector<16xf32>,
        %get3A_36 = arith.index_cast %add3A_33 : i32 to index
        %get3A_37 = arith.constant 0 : index
        %get3A_38 = tpu.vector_load %arg14[%get3A_36, %get3A_37] {strides = array<i32>} : memref<80x16xf32, #tpu.memory_space<vmem>>, vector<16xf32>,
        %add3A_39 = arith.addf %get3A_35, %get3A_38 : vector<16xf32>
        %mul3A_40 = arith.constant 2.000000e-01 : f32
        %mul3A_41 = vector.broadcast %mul3A_40 : f32 to vector<16xf32>
        %mul3A_42 = arith.mulf %add3A_39, %mul3A_41 : vector<16xf32>
        %max3A = arith.maximumf %add3A_39, %mul3A_42 : vector<16xf32>
        %exp3A = math.exp %max3A : vector<16xf32>
        %swap3A = arith.index_cast %add3A_33 : i32 to index
        %swap3A_43 = arith.constant 0 : index
        %swap3A_44 = tpu.vector_load %arg15[%swap3A, %swap3A_43] {strides = array<i32>} : memref<80x16xf32, #tpu.memory_space<vmem>>, vector<16xf32>,
        tpu.vector_store %arg15[%swap3A, %swap3A_43], %exp3A {strides = array<i32>} : memref<80x16xf32, #tpu.memory_space<vmem>>, vector<16xf32>,
        %get3A_45 = arith.index_cast %add3A_33 : i32 to index
        %get3A_46 = arith.constant 0 : index
        %get3A_47 = tpu.vector_load %arg16[%get3A_45, %get3A_46] {strides = array<i32>} : memref<80x128xf32, #tpu.memory_space<vmem>>, vector<16xf32>,
        %broadcast_in_dim3A = vector.broadcast %add3A_33 : i32 to vector<16xi32>
        %broadcast_in_dim3A_48 = arith.constant 0 : i32
        %broadcast_in_dim3A_49 = vector.broadcast %broadcast_in_dim3A_48 : i32 to vector<16xi32>
        %gather3A = tpu.vector_load_idx %arg15[%broadcast_in_dim3A, %broadcast_in_dim3A_49] : memref<80x16xf32, #tpu.memory_space<vmem>>[vector<16xi32>, vector<16xi32>], vector<16xf32>,
        %mul3A_50 = arith.mulf %get3A_47, %gather3A : vector<16xf32>
        %swap3A_51 = arith.index_cast %add3A_33 : i32 to index
        %swap3A_52 = arith.constant 0 : index
        %swap3A_53 = tpu.vector_load %arg17[%swap3A_51, %swap3A_52] {strides = array<i32>} : memref<80x128xf32, #tpu.memory_space<vmem>>, vector<16xf32>,
        tpu.vector_store %arg17[%swap3A_51, %swap3A_52], %mul3A_50 {strides = array<i32>} : memref<80x128xf32, #tpu.memory_space<vmem>>, vector<16xf32>,
        %get3A_54 = arith.index_cast %add3A_33 : i32 to index
        %get3A_55 = arith.constant 16 : index
        %get3A_56 = tpu.vector_load %arg16[%get3A_54, %get3A_55] {strides = array<i32>} : memref<80x128xf32, #tpu.memory_space<vmem>>, vector<16xf32>,
        %broadcast_in_dim3A_57 = vector.broadcast %add3A_33 : i32 to vector<16xi32>
        %broadcast_in_dim3A_58 = arith.constant 1 : i32
        %broadcast_in_dim3A_59 = vector.broadcast %broadcast_in_dim3A_58 : i32 to vector<16xi32>
        %gather3A_60 = tpu.vector_load_idx %arg15[%broadcast_in_dim3A_57, %broadcast_in_dim3A_59] : memref<80x16xf32, #tpu.memory_space<vmem>>[vector<16xi32>, vector<16xi32>], vector<16xf32>,
        %mul3A_61 = arith.mulf %get3A_56, %gather3A_60 : vector<16xf32>
        %swap3A_62 = arith.index_cast %add3A_33 : i32 to index
        %swap3A_63 = arith.constant 16 : index
        %swap3A_64 = tpu.vector_load %arg17[%swap3A_62, %swap3A_63] {strides = array<i32>} : memref<80x128xf32, #tpu.memory_space<vmem>>, vector<16xf32>,
        tpu.vector_store %arg17[%swap3A_62, %swap3A_63], %mul3A_61 {strides = array<i32>} : memref<80x128xf32, #tpu.memory_space<vmem>>, vector<16xf32>,
        %get3A_65 = arith.index_cast %add3A_33 : i32 to index
        %get3A_66 = arith.constant 32 : index
        %get3A_67 = tpu.vector_load %arg16[%get3A_65, %get3A_66] {strides = array<i32>} : memref<80x128xf32, #tpu.memory_space<vmem>>, vector<16xf32>,
        %broadcast_in_dim3A_68 = vector.broadcast %add3A_33 : i32 to vector<16xi32>
        %broadcast_in_dim3A_69 = arith.constant 2 : i32
        %broadcast_in_dim3A_70 = vector.broadcast %broadcast_in_dim3A_69 : i32 to vector<16xi32>
        %gather3A_71 = tpu.vector_load_idx %arg15[%broadcast_in_dim3A_68, %broadcast_in_dim3A_70] : memref<80x16xf32, #tpu.memory_space<vmem>>[vector<16xi32>, vector<16xi32>], vector<16xf32>,
        %mul3A_72 = arith.mulf %get3A_67, %gather3A_71 : vector<16xf32>
        %swap3A_73 = arith.index_cast %add3A_33 : i32 to index
        %swap3A_74 = arith.constant 32 : index
        %swap3A_75 = tpu.vector_load %arg17[%swap3A_73, %swap3A_74] {strides = array<i32>} : memref<80x128xf32, #tpu.memory_space<vmem>>, vector<16xf32>,
        tpu.vector_store %arg17[%swap3A_73, %swap3A_74], %mul3A_72 {strides = array<i32>} : memref<80x128xf32, #tpu.memory_space<vmem>>, vector<16xf32>,
        %get3A_76 = arith.index_cast %add3A_33 : i32 to index
        %get3A_77 = arith.constant 48 : index
        %get3A_78 = tpu.vector_load %arg16[%get3A_76, %get3A_77] {strides = array<i32>} : memref<80x128xf32, #tpu.memory_space<vmem>>, vector<16xf32>,
        %broadcast_in_dim3A_79 = vector.broadcast %add3A_33 : i32 to vector<16xi32>
        %broadcast_in_dim3A_80 = arith.constant 3 : i32
        %broadcast_in_dim3A_81 = vector.broadcast %broadcast_in_dim3A_80 : i32 to vector<16xi32>
        %gather3A_82 = tpu.vector_load_idx %arg15[%broadcast_in_dim3A_79, %broadcast_in_dim3A_81] : memref<80x16xf32, #tpu.memory_space<vmem>>[vector<16xi32>, vector<16xi32>], vector<16xf32>,
        %mul3A_83 = arith.mulf %get3A_78, %gather3A_82 : vector<16xf32>
        %swap3A_84 = arith.index_cast %add3A_33 : i32 to index
        %swap3A_85 = arith.constant 48 : index
        %swap3A_86 = tpu.vector_load %arg17[%swap3A_84, %swap3A_85] {strides = array<i32>} : memref<80x128xf32, #tpu.memory_space<vmem>>, vector<16xf32>,
        tpu.vector_store %arg17[%swap3A_84, %swap3A_85], %mul3A_83 {strides = array<i32>} : memref<80x128xf32, #tpu.memory_space<vmem>>, vector<16xf32>,
        %get3A_87 = arith.index_cast %add3A_33 : i32 to index
        %get3A_88 = arith.constant 64 : index
        %get3A_89 = tpu.vector_load %arg16[%get3A_87, %get3A_88] {strides = array<i32>} : memref<80x128xf32, #tpu.memory_space<vmem>>, vector<16xf32>,
        %broadcast_in_dim3A_90 = vector.broadcast %add3A_33 : i32 to vector<16xi32>
        %broadcast_in_dim3A_91 = arith.constant 4 : i32
        %broadcast_in_dim3A_92 = vector.broadcast %broadcast_in_dim3A_91 : i32 to vector<16xi32>
        %gather3A_93 = tpu.vector_load_idx %arg15[%broadcast_in_dim3A_90, %broadcast_in_dim3A_92] : memref<80x16xf32, #tpu.memory_space<vmem>>[vector<16xi32>, vector<16xi32>], vector<16xf32>,
        %mul3A_94 = arith.mulf %get3A_89, %gather3A_93 : vector<16xf32>
        %swap3A_95 = arith.index_cast %add3A_33 : i32 to index
        %swap3A_96 = arith.constant 64 : index
        %swap3A_97 = tpu.vector_load %arg17[%swap3A_95, %swap3A_96] {strides = array<i32>} : memref<80x128xf32, #tpu.memory_space<vmem>>, vector<16xf32>,
        tpu.vector_store %arg17[%swap3A_95, %swap3A_96], %mul3A_94 {strides = array<i32>} : memref<80x128xf32, #tpu.memory_space<vmem>>, vector<16xf32>,
        %get3A_98 = arith.index_cast %add3A_33 : i32 to index
        %get3A_99 = arith.constant 80 : index
        %get3A_100 = tpu.vector_load %arg16[%get3A_98, %get3A_99] {strides = array<i32>} : memref<80x128xf32, #tpu.memory_space<vmem>>, vector<16xf32>,
        %broadcast_in_dim3A_101 = vector.broadcast %add3A_33 : i32 to vector<16xi32>
        %broadcast_in_dim3A_102 = arith.constant 5 : i32
        %broadcast_in_dim3A_103 = vector.broadcast %broadcast_in_dim3A_102 : i32 to vector<16xi32>
        %gather3A_104 = tpu.vector_load_idx %arg15[%broadcast_in_dim3A_101, %broadcast_in_dim3A_103] : memref<80x16xf32, #tpu.memory_space<vmem>>[vector<16xi32>, vector<16xi32>], vector<16xf32>,
        %mul3A_105 = arith.mulf %get3A_100, %gather3A_104 : vector<16xf32>
        %swap3A_106 = arith.index_cast %add3A_33 : i32 to index
        %swap3A_107 = arith.constant 80 : index
        %swap3A_108 = tpu.vector_load %arg17[%swap3A_106, %swap3A_107] {strides = array<i32>} : memref<80x128xf32, #tpu.memory_space<vmem>>, vector<16xf32>,
        tpu.vector_store %arg17[%swap3A_106, %swap3A_107], %mul3A_105 {strides = array<i32>} : memref<80x128xf32, #tpu.memory_space<vmem>>, vector<16xf32>,
        %get3A_109 = arith.index_cast %add3A_33 : i32 to index
        %get3A_110 = arith.constant 96 : index
        %get3A_111 = tpu.vector_load %arg16[%get3A_109, %get3A_110] {strides = array<i32>} : memref<80x128xf32, #tpu.memory_space<vmem>>, vector<16xf32>,
        %broadcast_in_dim3A_112 = vector.broadcast %add3A_33 : i32 to vector<16xi32>
        %broadcast_in_dim3A_113 = arith.constant 6 : i32
        %broadcast_in_dim3A_114 = vector.broadcast %broadcast_in_dim3A_113 : i32 to vector<16xi32>
        %gather3A_115 = tpu.vector_load_idx %arg15[%broadcast_in_dim3A_112, %broadcast_in_dim3A_114] : memref<80x16xf32, #tpu.memory_space<vmem>>[vector<16xi32>, vector<16xi32>], vector<16xf32>,
        %mul3A_116 = arith.mulf %get3A_111, %gather3A_115 : vector<16xf32>
        %swap3A_117 = arith.index_cast %add3A_33 : i32 to index
        %swap3A_118 = arith.constant 96 : index
        %swap3A_119 = tpu.vector_load %arg17[%swap3A_117, %swap3A_118] {strides = array<i32>} : memref<80x128xf32, #tpu.memory_space<vmem>>, vector<16xf32>,
        tpu.vector_store %arg17[%swap3A_117, %swap3A_118], %mul3A_116 {strides = array<i32>} : memref<80x128xf32, #tpu.memory_space<vmem>>, vector<16xf32>,
        %get3A_120 = arith.index_cast %add3A_33 : i32 to index
        %get3A_121 = arith.constant 112 : index
        %get3A_122 = tpu.vector_load %arg16[%get3A_120, %get3A_121] {strides = array<i32>} : memref<80x128xf32, #tpu.memory_space<vmem>>, vector<16xf32>,
        %broadcast_in_dim3A_123 = vector.broadcast %add3A_33 : i32 to vector<16xi32>
        %broadcast_in_dim3A_124 = arith.constant 7 : i32
        %broadcast_in_dim3A_125 = vector.broadcast %broadcast_in_dim3A_124 : i32 to vector<16xi32>
        %gather3A_126 = tpu.vector_load_idx %arg15[%broadcast_in_dim3A_123, %broadcast_in_dim3A_125] : memref<80x16xf32, #tpu.memory_space<vmem>>[vector<16xi32>, vector<16xi32>], vector<16xf32>,
        %mul3A_127 = arith.mulf %get3A_122, %gather3A_126 : vector<16xf32>
        %swap3A_128 = arith.index_cast %add3A_33 : i32 to index
        %swap3A_129 = arith.constant 112 : index
        %swap3A_130 = tpu.vector_load %arg17[%swap3A_128, %swap3A_129] {strides = array<i32>} : memref<80x128xf32, #tpu.memory_space<vmem>>, vector<16xf32>,
        tpu.vector_store %arg17[%swap3A_128, %swap3A_129], %mul3A_127 {strides = array<i32>} : memref<80x128xf32, #tpu.memory_space<vmem>>, vector<16xf32>,
      }
      %scan3A_26 = arith.constant 80 : i32
      %run_scoped3A_27 = arith.constant 0 : i32
      "tpu.region"() ({
        %run_scoped3A_29 = tpu.sem_alloc : memref<!tpu.dma_semaphore, #tpu.memory_space<semaphore_mem>>
        %dma_start3A = arith.constant 0 : i32
        %dma_start3A_30 = tpu.memref_slice %arg12[%run_scoped3A_27, %dma_start3A] : memref<1x80xi32, #tpu.memory_space<vmem>> -> memref<1x80xi32, #tpu.memory_space<vmem>>
        %dma_start3A_31 = tpu.memref_squeeze %dma_start3A_30 : memref<1x80xi32, #tpu.memory_space<vmem>> -> memref<80xi32, #tpu.memory_space<vmem>>
        %dma_start3A_32 = arith.constant 0 : i32
        %dma_start3A_33 = arith.constant 0 : i32
        %dma_start3A_34 = tpu.memref_slice %arg19[%dma_start3A_32, %dma_start3A_33] : memref<10240x16xf32, #tpu.memory_space<vmem_shared>> -> memref<10240x16xf32, #tpu.memory_space<vmem_shared>>
        tpu.enqueue_indirect_dma source(%arg15 : memref<80x16xf32, #tpu.memory_space<vmem>>) target(%dma_start3A_34 : memref<10240x16xf32, #tpu.memory_space<vmem_shared>>) offsets(%dma_start3A_31 : memref<80xi32, #tpu.memory_space<vmem>>) semaphore(%run_scoped3A_29 : memref<!tpu.dma_semaphore, #tpu.memory_space<semaphore_mem>>) {add = true}
        %dma_wait3A = arith.constant 0 : i32
        %dma_wait3A_35 = tpu.memref_slice %arg12[%run_scoped3A_27, %dma_wait3A] : memref<1x80xi32, #tpu.memory_space<vmem>> -> memref<1x80xi32, #tpu.memory_space<vmem>>
        %dma_wait3A_36 = tpu.memref_squeeze %dma_wait3A_35 : memref<1x80xi32, #tpu.memory_space<vmem>> -> memref<80xi32, #tpu.memory_space<vmem>>
        %dma_wait3A_37 = arith.constant 0 : i32
        %dma_wait3A_38 = arith.constant 0 : i32
        %dma_wait3A_39 = tpu.memref_slice %arg19[%dma_wait3A_37, %dma_wait3A_38] : memref<10240x16xf32, #tpu.memory_space<vmem_shared>> -> memref<10240x16xf32, #tpu.memory_space<vmem_shared>>
        tpu.wait_indirect_dma semaphore(%run_scoped3A_29 : memref<!tpu.dma_semaphore, #tpu.memory_space<semaphore_mem>>) src(%arg15 : memref<80x16xf32, #tpu.memory_space<vmem>>) dst(%dma_wait3A_39 : memref<10240x16xf32, #tpu.memory_space<vmem_shared>>)
        tpu.yield
      }) : () -> ()
      %run_scoped3A_28 = arith.constant 0 : i32
      "tpu.region"() ({
        %run_scoped3A_29 = tpu.sem_alloc : memref<!tpu.dma_semaphore, #tpu.memory_space<semaphore_mem>>
        %dma_start3A = arith.constant 0 : i32
        %dma_start3A_30 = tpu.memref_slice %arg12[%run_scoped3A_28, %dma_start3A] : memref<1x80xi32, #tpu.memory_space<vmem>> -> memref<1x80xi32, #tpu.memory_space<vmem>>
        %dma_start3A_31 = tpu.memref_squeeze %dma_start3A_30 : memref<1x80xi32, #tpu.memory_space<vmem>> -> memref<80xi32, #tpu.memory_space<vmem>>
        %dma_start3A_32 = arith.constant 0 : i32
        %dma_start3A_33 = arith.constant 0 : i32
        %dma_start3A_34 = tpu.memref_slice %arg18[%dma_start3A_32, %dma_start3A_33] : memref<10240x128xf32, #tpu.memory_space<vmem_shared>> -> memref<10240x128xf32, #tpu.memory_space<vmem_shared>>
        tpu.enqueue_indirect_dma source(%arg17 : memref<80x128xf32, #tpu.memory_space<vmem>>) target(%dma_start3A_34 : memref<10240x128xf32, #tpu.memory_space<vmem_shared>>) offsets(%dma_start3A_31 : memref<80xi32, #tpu.memory_space<vmem>>) semaphore(%run_scoped3A_29 : memref<!tpu.dma_semaphore, #tpu.memory_space<semaphore_mem>>) {add = true}
        %dma_wait3A = arith.constant 0 : i32
        %dma_wait3A_35 = tpu.memref_slice %arg12[%run_scoped3A_28, %dma_wait3A] : memref<1x80xi32, #tpu.memory_space<vmem>> -> memref<1x80xi32, #tpu.memory_space<vmem>>
        %dma_wait3A_36 = tpu.memref_squeeze %dma_wait3A_35 : memref<1x80xi32, #tpu.memory_space<vmem>> -> memref<80xi32, #tpu.memory_space<vmem>>
        %dma_wait3A_37 = arith.constant 0 : i32
        %dma_wait3A_38 = arith.constant 0 : i32
        %dma_wait3A_39 = tpu.memref_slice %arg18[%dma_wait3A_37, %dma_wait3A_38] : memref<10240x128xf32, #tpu.memory_space<vmem_shared>> -> memref<10240x128xf32, #tpu.memory_space<vmem_shared>>
        tpu.wait_indirect_dma semaphore(%run_scoped3A_29 : memref<!tpu.dma_semaphore, #tpu.memory_space<semaphore_mem>>) src(%arg17 : memref<80x128xf32, #tpu.memory_space<vmem>>) dst(%dma_wait3A_39 : memref<10240x128xf32, #tpu.memory_space<vmem_shared>>)
        tpu.yield
      }) : () -> ()
    }
    %scan3A_8 = arith.constant 125 : i32
    %barrier3A_9 = arith.constant 0 : index
    tpu.barrier barrier_id(%barrier3A_9)
    "tpu.region"() ({
      %run_scoped3A = tpu.sem_alloc : memref<!tpu.dma_semaphore, #tpu.memory_space<semaphore_mem>>
      %dma_start3A = arith.constant 0 : i32
      %dma_start3A_10 = tpu.memref_slice %arg9[%arg0, %mul3A_2, %dma_start3A] : memref<2x10240x128xf32, #tpu.memory_space<hbm>> -> memref<1x640x128xf32, #tpu.memory_space<hbm>>
      %dma_start3A_11 = tpu.memref_squeeze %dma_start3A_10 : memref<1x640x128xf32, #tpu.memory_space<hbm>> -> memref<640x128xf32, #tpu.memory_space<hbm>>
      %dma_start3A_12 = arith.constant 0 : i32
      %dma_start3A_13 = tpu.memref_slice %arg18[%mul3A_2, %dma_start3A_12] : memref<10240x128xf32, #tpu.memory_space<vmem_shared>> -> memref<640x128xf32, #tpu.memory_space<vmem_shared>>
      tpu.enqueue_dma source(%dma_start3A_13 : memref<640x128xf32, #tpu.memory_space<vmem_shared>>) target(%dma_start3A_11 : memref<640x128xf32, #tpu.memory_space<hbm>>) target_semaphore(%run_scoped3A : memref<!tpu.dma_semaphore, #tpu.memory_space<semaphore_mem>>)
      %dma_wait3A = arith.constant 0 : i32
      %dma_wait3A_14 = tpu.memref_slice %arg9[%arg0, %mul3A_2, %dma_wait3A] : memref<2x10240x128xf32, #tpu.memory_space<hbm>> -> memref<1x640x128xf32, #tpu.memory_space<hbm>>
      %dma_wait3A_15 = tpu.memref_squeeze %dma_wait3A_14 : memref<1x640x128xf32, #tpu.memory_space<hbm>> -> memref<640x128xf32, #tpu.memory_space<hbm>>
      %dma_wait3A_16 = arith.constant 0 : i32
      %dma_wait3A_17 = tpu.memref_slice %arg18[%mul3A_2, %dma_wait3A_16] : memref<10240x128xf32, #tpu.memory_space<vmem_shared>> -> memref<640x128xf32, #tpu.memory_space<vmem_shared>>
      tpu.wait_dma2 semaphore(%run_scoped3A : memref<!tpu.dma_semaphore, #tpu.memory_space<semaphore_mem>>) src(%dma_wait3A_17 : memref<640x128xf32, #tpu.memory_space<vmem_shared>>) dst(%dma_wait3A_15 : memref<640x128xf32, #tpu.memory_space<hbm>>)
      tpu.yield
    }) : () -> ()
    "tpu.region"() ({
      %run_scoped3A = tpu.sem_alloc : memref<!tpu.dma_semaphore, #tpu.memory_space<semaphore_mem>>
      %dma_start3A = arith.constant 0 : i32
      %dma_start3A_10 = tpu.memref_slice %arg10[%arg0, %mul3A_2, %dma_start3A] : memref<2x10240x16xf32, #tpu.memory_space<hbm>> -> memref<1x640x16xf32, #tpu.memory_space<hbm>>
      %dma_start3A_11 = tpu.memref_squeeze %dma_start3A_10 : memref<1x640x16xf32, #tpu.memory_space<hbm>> -> memref<640x16xf32, #tpu.memory_space<hbm>>
      %dma_start3A_12 = arith.constant 0 : i32
      %dma_start3A_13 = tpu.memref_slice %arg19[%mul3A_2, %dma_start3A_12] : memref<10240x16xf32, #tpu.memory_space<vmem_shared>> -> memref<640x16xf32, #tpu.memory_space<vmem_shared>>
      tpu.enqueue_dma source(%dma_start3A_13 : memref<640x16xf32, #tpu.memory_space<vmem_shared>>) target(%dma_start3A_11 : memref<640x16xf32, #tpu.memory_space<hbm>>) target_semaphore(%run_scoped3A : memref<!tpu.dma_semaphore, #tpu.memory_space<semaphore_mem>>)
      %dma_wait3A = arith.constant 0 : i32
      %dma_wait3A_14 = tpu.memref_slice %arg10[%arg0, %mul3A_2, %dma_wait3A] : memref<2x10240x16xf32, #tpu.memory_space<hbm>> -> memref<1x640x16xf32, #tpu.memory_space<hbm>>
      %dma_wait3A_15 = tpu.memref_squeeze %dma_wait3A_14 : memref<1x640x16xf32, #tpu.memory_space<hbm>> -> memref<640x16xf32, #tpu.memory_space<hbm>>
      %dma_wait3A_16 = arith.constant 0 : i32
      %dma_wait3A_17 = tpu.memref_slice %arg19[%mul3A_2, %dma_wait3A_16] : memref<10240x16xf32, #tpu.memory_space<vmem_shared>> -> memref<640x16xf32, #tpu.memory_space<vmem_shared>>
      tpu.wait_dma2 semaphore(%run_scoped3A : memref<!tpu.dma_semaphore, #tpu.memory_space<semaphore_mem>>) src(%dma_wait3A_17 : memref<640x16xf32, #tpu.memory_space<vmem_shared>>) dst(%dma_wait3A_15 : memref<640x16xf32, #tpu.memory_space<hbm>>)
      tpu.yield
    }) : () -> ()
    return
  }
}

module attributes {stable_mosaic.version = 14 : i64} {
  func.func @_proj_body(%arg0: i32, %arg1: memref<400x128xf32, #tpu.memory_space<vmem>>, %arg2: memref<128x128xf32, #tpu.memory_space<vmem>>, %arg3: memref<128x32xf32, #tpu.memory_space<vmem>>, %arg4: memref<400x128xf32, #tpu.memory_space<vmem>>, %arg5: memref<400x16xf32, #tpu.memory_space<vmem>>, %arg6: memref<400x16xf32, #tpu.memory_space<vmem>>) attributes {dimension_semantics = [#tpu.dimension_semantics<arbitrary>], iteration_bounds = array<i64: 25>, scalar_prefetch = 0 : i64, scratch_operands = 0 : i64, tpu.core_type = #tpu.core_type<tc>, window_params = [{transform_indices = @transform_0, window_bounds = array<i64: 400, 128>}, {pipeline_mode = #tpu.pipeline_mode<synchronous>, transform_indices = @transform_1, window_bounds = array<i64: 128, 128>}, {pipeline_mode = #tpu.pipeline_mode<synchronous>, transform_indices = @transform_2, window_bounds = array<i64: 128, 32>}, {transform_indices = @transform_3, window_bounds = array<i64: 400, 128>}, {transform_indices = @transform_4, window_bounds = array<i64: 400, 16>}, {transform_indices = @transform_5, window_bounds = array<i64: 400, 16>}]} {
    %get3A = arith.constant 0 : index
    %get3A_0 = arith.constant 0 : index
    %get3A_1 = vector.load %arg1[%get3A, %get3A_0] : memref<400x128xf32, #tpu.memory_space<vmem>>, vector<400x128xf32>
    %get3A_2 = arith.constant 0 : index
    %get3A_3 = arith.constant 0 : index
    %get3A_4 = vector.load %arg2[%get3A_2, %get3A_3] : memref<128x128xf32, #tpu.memory_space<vmem>>, vector<128x128xf32>
    %dot_general3A = arith.constant dense<0.000000e+00> : vector<400x128xf32>
    %dot_general3A_5 = tpu.matmul %get3A_1, %get3A_4, %dot_general3A {dimension_numbers = #tpu.dot_dimension_numbers<[1], [0], [0], [1], [0, 0, 1, 1], [], []>, transpose_lhs_hint = false} : vector<400x128xf32>, vector<128x128xf32>, vector<400x128xf32> -> vector<400x128xf32>
    %swap3A = arith.constant 0 : index
    %swap3A_6 = arith.constant 0 : index
    %swap3A_7 = vector.load %arg4[%swap3A, %swap3A_6] : memref<400x128xf32, #tpu.memory_space<vmem>>, vector<400x128xf32>
    tpu.vector_store %arg4[%swap3A, %swap3A_6], %dot_general3A_5 {strides = array<i32>} : memref<400x128xf32, #tpu.memory_space<vmem>>, vector<400x128xf32>,
    %get3A_8 = arith.constant 0 : index
    %get3A_9 = arith.constant 0 : index
    %get3A_10 = vector.load %arg3[%get3A_8, %get3A_9] : memref<128x32xf32, #tpu.memory_space<vmem>>, vector<128x32xf32>
    %dot_general3A_11 = arith.constant dense<0.000000e+00> : vector<400x32xf32>
    %dot_general3A_12 = tpu.matmul %dot_general3A_5, %get3A_10, %dot_general3A_11 {dimension_numbers = #tpu.dot_dimension_numbers<[1], [0], [0], [1], [0, 0, 1, 1], [], []>, transpose_lhs_hint = false} : vector<400x128xf32>, vector<128x32xf32>, vector<400x32xf32> -> vector<400x32xf32>
    %slice3A = vector.extract_strided_slice %dot_general3A_12 {offsets = [0, 0], sizes = [400, 16], strides = [1, 1]} : vector<400x32xf32> to vector<400x16xf32>
    %swap3A_13 = arith.constant 0 : index
    %swap3A_14 = arith.constant 0 : index
    %swap3A_15 = vector.load %arg5[%swap3A_13, %swap3A_14] : memref<400x16xf32, #tpu.memory_space<vmem>>, vector<400x16xf32>
    tpu.vector_store %arg5[%swap3A_13, %swap3A_14], %slice3A {strides = array<i32>} : memref<400x16xf32, #tpu.memory_space<vmem>>, vector<400x16xf32>,
    %slice3A_16 = vector.extract_strided_slice %dot_general3A_12 {offsets = [0, 16], sizes = [400, 16], strides = [1, 1]} : vector<400x32xf32> to vector<400x16xf32>
    %swap3A_17 = arith.constant 0 : index
    %swap3A_18 = arith.constant 0 : index
    %swap3A_19 = vector.load %arg6[%swap3A_17, %swap3A_18] : memref<400x16xf32, #tpu.memory_space<vmem>>, vector<400x16xf32>
    tpu.vector_store %arg6[%swap3A_17, %swap3A_18], %slice3A_16 {strides = array<i32>} : memref<400x16xf32, #tpu.memory_space<vmem>>, vector<400x16xf32>,
    return
  }
  func.func @transform_0(%arg0: i32) -> (i32, i32) {
    %c0_i32 = arith.constant 0 : i32
    %c0_i32_0 = arith.constant 0 : i32
    return %arg0, %c0_i32 : i32, i32
  }
  func.func @transform_1(%arg0: i32) -> (i32, i32) {
    %c0_i32 = arith.constant 0 : i32
    %c0_i32_0 = arith.constant 0 : i32
    %c0_i32_1 = arith.constant 0 : i32
    return %c0_i32, %c0_i32_0 : i32, i32
  }
  func.func @transform_2(%arg0: i32) -> (i32, i32) {
    %c0_i32 = arith.constant 0 : i32
    %c0_i32_0 = arith.constant 0 : i32
    %c0_i32_1 = arith.constant 0 : i32
    return %c0_i32, %c0_i32_0 : i32, i32
  }
  func.func @transform_3(%arg0: i32) -> (i32, i32) {
    %c0_i32 = arith.constant 0 : i32
    %c0_i32_0 = arith.constant 0 : i32
    return %arg0, %c0_i32 : i32, i32
  }
  func.func @transform_4(%arg0: i32) -> (i32, i32) {
    %c0_i32 = arith.constant 0 : i32
    %c0_i32_0 = arith.constant 0 : i32
    return %arg0, %c0_i32 : i32, i32
  }
  func.func @transform_5(%arg0: i32) -> (i32, i32) {
    %c0_i32 = arith.constant 0 : i32
    %c0_i32_0 = arith.constant 0 : i32
    return %arg0, %c0_i32 : i32, i32
  }
}

module attributes {stable_mosaic.version = 14 : i64} {
  func.func @_norm_body(%arg0: i32, %arg1: memref<640x128xf32, #tpu.memory_space<vmem>>, %arg2: memref<640x128xf32, #tpu.memory_space<vmem>>, %arg3: memref<640x16xf32, #tpu.memory_space<vmem>>, %arg4: memref<640x16xf32, #tpu.memory_space<vmem>>, %arg5: memref<1x128xf32, #tpu.memory_space<vmem>>, %arg6: memref<640x128xf32, #tpu.memory_space<vmem>>) attributes {dimension_semantics = [#tpu.dimension_semantics<arbitrary>], iteration_bounds = array<i64: 16>, scalar_prefetch = 0 : i64, scratch_operands = 0 : i64, tpu.core_type = #tpu.core_type<tc>, window_params = [{transform_indices = @transform_0, window_bounds = array<i64: 640, 128>}, {transform_indices = @transform_1, window_bounds = array<i64: 640, 128>}, {transform_indices = @transform_2, window_bounds = array<i64: 640, 16>}, {transform_indices = @transform_3, window_bounds = array<i64: 640, 16>}, {pipeline_mode = #tpu.pipeline_mode<synchronous>, transform_indices = @transform_4, window_bounds = array<i64: 1, 128>}, {transform_indices = @transform_5, window_bounds = array<i64: 640, 128>}]} {
    %get3A = arith.constant 0 : index
    %get3A_0 = arith.constant 0 : index
    %get3A_1 = vector.load %arg1[%get3A, %get3A_0] : memref<640x128xf32, #tpu.memory_space<vmem>>, vector<640x128xf32>
    %get3A_2 = arith.constant 0 : index
    %get3A_3 = arith.constant 0 : index
    %get3A_4 = vector.load %arg2[%get3A_2, %get3A_3] : memref<640x128xf32, #tpu.memory_space<vmem>>, vector<640x128xf32>
    %add3A = arith.addf %get3A_1, %get3A_4 : vector<640x128xf32>
    %get3A_5 = arith.constant 0 : index
    %get3A_6 = arith.constant 0 : index
    %get3A_7 = vector.load %arg3[%get3A_5, %get3A_6] : memref<640x16xf32, #tpu.memory_space<vmem>>, vector<640x16xf32>
    %get3A_8 = arith.constant 0 : index
    %get3A_9 = arith.constant 0 : index
    %get3A_10 = vector.load %arg4[%get3A_8, %get3A_9] : memref<640x16xf32, #tpu.memory_space<vmem>>, vector<640x16xf32>
    %add3A_11 = arith.addf %get3A_7, %get3A_10 : vector<640x16xf32>
    %slice3A = vector.extract_strided_slice %add3A_11 {offsets = [0, 0], sizes = [640, 1], strides = [1, 1]} : vector<640x16xf32> to vector<640x1xf32>
    %eq3A = arith.constant 0.000000e+00 : f32
    %eq3A_12 = vector.broadcast %eq3A : f32 to vector<640x1xf32>
    %eq3A_13 = arith.cmpf oeq, %slice3A, %eq3A_12 : vector<640x1xf32>
    %jit3A = arith.constant 1.000000e+00 : f32
    %broadcast_in_dim3A = vector.broadcast %jit3A : f32 to vector<640x1xf32>
    %select_n3A = arith.select %eq3A_13, %broadcast_in_dim3A, %slice3A : vector<640x1xi1>, vector<640x1xf32>
    %slice3A_14 = vector.extract_strided_slice %add3A {offsets = [0, 0], sizes = [640, 16], strides = [1, 1]} : vector<640x128xf32> to vector<640x16xf32>
    %div3A = vector.broadcast %select_n3A : vector<640x1xf32> to vector<640x16xf32>
    %div3A_15 = arith.divf %slice3A_14, %div3A : vector<640x16xf32>
    %get3A_16 = arith.constant 0 : index
    %get3A_17 = arith.constant 0 : index
    %get3A_18 = vector.load %arg5[%get3A_16, %get3A_17] : memref<1x128xf32, #tpu.memory_space<vmem>>, vector<1x16xf32>
    %add3A_19 = vector.broadcast %get3A_18 : vector<1x16xf32> to vector<640x16xf32>
    %add3A_20 = arith.addf %div3A_15, %add3A_19 : vector<640x16xf32>
    %swap3A = arith.constant 0 : index
    %swap3A_21 = arith.constant 0 : index
    %swap3A_22 = vector.load %arg6[%swap3A, %swap3A_21] : memref<640x128xf32, #tpu.memory_space<vmem>>, vector<640x16xf32>
    tpu.vector_store %arg6[%swap3A, %swap3A_21], %add3A_20 {strides = array<i32>} : memref<640x128xf32, #tpu.memory_space<vmem>>, vector<640x16xf32>,
    %slice3A_23 = vector.extract_strided_slice %add3A_11 {offsets = [0, 1], sizes = [640, 1], strides = [1, 1]} : vector<640x16xf32> to vector<640x1xf32>
    %eq3A_24 = arith.constant 0.000000e+00 : f32
    %eq3A_25 = vector.broadcast %eq3A_24 : f32 to vector<640x1xf32>
    %eq3A_26 = arith.cmpf oeq, %slice3A_23, %eq3A_25 : vector<640x1xf32>
    %jit3A_27 = arith.constant 1.000000e+00 : f32
    %broadcast_in_dim3A_28 = vector.broadcast %jit3A_27 : f32 to vector<640x1xf32>
    %select_n3A_29 = arith.select %eq3A_26, %broadcast_in_dim3A_28, %slice3A_23 : vector<640x1xi1>, vector<640x1xf32>
    %slice3A_30 = vector.extract_strided_slice %add3A {offsets = [0, 16], sizes = [640, 16], strides = [1, 1]} : vector<640x128xf32> to vector<640x16xf32>
    %div3A_31 = vector.broadcast %select_n3A_29 : vector<640x1xf32> to vector<640x16xf32>
    %div3A_32 = arith.divf %slice3A_30, %div3A_31 : vector<640x16xf32>
    %get3A_33 = arith.constant 0 : index
    %get3A_34 = arith.constant 16 : index
    %get3A_35 = vector.load %arg5[%get3A_33, %get3A_34] : memref<1x128xf32, #tpu.memory_space<vmem>>, vector<1x16xf32>
    %add3A_36 = vector.broadcast %get3A_35 : vector<1x16xf32> to vector<640x16xf32>
    %add3A_37 = arith.addf %div3A_32, %add3A_36 : vector<640x16xf32>
    %swap3A_38 = arith.constant 0 : index
    %swap3A_39 = arith.constant 16 : index
    %swap3A_40 = vector.load %arg6[%swap3A_38, %swap3A_39] : memref<640x128xf32, #tpu.memory_space<vmem>>, vector<640x16xf32>
    tpu.vector_store %arg6[%swap3A_38, %swap3A_39], %add3A_37 {strides = array<i32>} : memref<640x128xf32, #tpu.memory_space<vmem>>, vector<640x16xf32>,
    %slice3A_41 = vector.extract_strided_slice %add3A_11 {offsets = [0, 2], sizes = [640, 1], strides = [1, 1]} : vector<640x16xf32> to vector<640x1xf32>
    %eq3A_42 = arith.constant 0.000000e+00 : f32
    %eq3A_43 = vector.broadcast %eq3A_42 : f32 to vector<640x1xf32>
    %eq3A_44 = arith.cmpf oeq, %slice3A_41, %eq3A_43 : vector<640x1xf32>
    %jit3A_45 = arith.constant 1.000000e+00 : f32
    %broadcast_in_dim3A_46 = vector.broadcast %jit3A_45 : f32 to vector<640x1xf32>
    %select_n3A_47 = arith.select %eq3A_44, %broadcast_in_dim3A_46, %slice3A_41 : vector<640x1xi1>, vector<640x1xf32>
    %slice3A_48 = vector.extract_strided_slice %add3A {offsets = [0, 32], sizes = [640, 16], strides = [1, 1]} : vector<640x128xf32> to vector<640x16xf32>
    %div3A_49 = vector.broadcast %select_n3A_47 : vector<640x1xf32> to vector<640x16xf32>
    %div3A_50 = arith.divf %slice3A_48, %div3A_49 : vector<640x16xf32>
    %get3A_51 = arith.constant 0 : index
    %get3A_52 = arith.constant 32 : index
    %get3A_53 = vector.load %arg5[%get3A_51, %get3A_52] : memref<1x128xf32, #tpu.memory_space<vmem>>, vector<1x16xf32>
    %add3A_54 = vector.broadcast %get3A_53 : vector<1x16xf32> to vector<640x16xf32>
    %add3A_55 = arith.addf %div3A_50, %add3A_54 : vector<640x16xf32>
    %swap3A_56 = arith.constant 0 : index
    %swap3A_57 = arith.constant 32 : index
    %swap3A_58 = vector.load %arg6[%swap3A_56, %swap3A_57] : memref<640x128xf32, #tpu.memory_space<vmem>>, vector<640x16xf32>
    tpu.vector_store %arg6[%swap3A_56, %swap3A_57], %add3A_55 {strides = array<i32>} : memref<640x128xf32, #tpu.memory_space<vmem>>, vector<640x16xf32>,
    %slice3A_59 = vector.extract_strided_slice %add3A_11 {offsets = [0, 3], sizes = [640, 1], strides = [1, 1]} : vector<640x16xf32> to vector<640x1xf32>
    %eq3A_60 = arith.constant 0.000000e+00 : f32
    %eq3A_61 = vector.broadcast %eq3A_60 : f32 to vector<640x1xf32>
    %eq3A_62 = arith.cmpf oeq, %slice3A_59, %eq3A_61 : vector<640x1xf32>
    %jit3A_63 = arith.constant 1.000000e+00 : f32
    %broadcast_in_dim3A_64 = vector.broadcast %jit3A_63 : f32 to vector<640x1xf32>
    %select_n3A_65 = arith.select %eq3A_62, %broadcast_in_dim3A_64, %slice3A_59 : vector<640x1xi1>, vector<640x1xf32>
    %slice3A_66 = vector.extract_strided_slice %add3A {offsets = [0, 48], sizes = [640, 16], strides = [1, 1]} : vector<640x128xf32> to vector<640x16xf32>
    %div3A_67 = vector.broadcast %select_n3A_65 : vector<640x1xf32> to vector<640x16xf32>
    %div3A_68 = arith.divf %slice3A_66, %div3A_67 : vector<640x16xf32>
    %get3A_69 = arith.constant 0 : index
    %get3A_70 = arith.constant 48 : index
    %get3A_71 = vector.load %arg5[%get3A_69, %get3A_70] : memref<1x128xf32, #tpu.memory_space<vmem>>, vector<1x16xf32>
    %add3A_72 = vector.broadcast %get3A_71 : vector<1x16xf32> to vector<640x16xf32>
    %add3A_73 = arith.addf %div3A_68, %add3A_72 : vector<640x16xf32>
    %swap3A_74 = arith.constant 0 : index
    %swap3A_75 = arith.constant 48 : index
    %swap3A_76 = vector.load %arg6[%swap3A_74, %swap3A_75] : memref<640x128xf32, #tpu.memory_space<vmem>>, vector<640x16xf32>
    tpu.vector_store %arg6[%swap3A_74, %swap3A_75], %add3A_73 {strides = array<i32>} : memref<640x128xf32, #tpu.memory_space<vmem>>, vector<640x16xf32>,
    %slice3A_77 = vector.extract_strided_slice %add3A_11 {offsets = [0, 4], sizes = [640, 1], strides = [1, 1]} : vector<640x16xf32> to vector<640x1xf32>
    %eq3A_78 = arith.constant 0.000000e+00 : f32
    %eq3A_79 = vector.broadcast %eq3A_78 : f32 to vector<640x1xf32>
    %eq3A_80 = arith.cmpf oeq, %slice3A_77, %eq3A_79 : vector<640x1xf32>
    %jit3A_81 = arith.constant 1.000000e+00 : f32
    %broadcast_in_dim3A_82 = vector.broadcast %jit3A_81 : f32 to vector<640x1xf32>
    %select_n3A_83 = arith.select %eq3A_80, %broadcast_in_dim3A_82, %slice3A_77 : vector<640x1xi1>, vector<640x1xf32>
    %slice3A_84 = vector.extract_strided_slice %add3A {offsets = [0, 64], sizes = [640, 16], strides = [1, 1]} : vector<640x128xf32> to vector<640x16xf32>
    %div3A_85 = vector.broadcast %select_n3A_83 : vector<640x1xf32> to vector<640x16xf32>
    %div3A_86 = arith.divf %slice3A_84, %div3A_85 : vector<640x16xf32>
    %get3A_87 = arith.constant 0 : index
    %get3A_88 = arith.constant 64 : index
    %get3A_89 = vector.load %arg5[%get3A_87, %get3A_88] : memref<1x128xf32, #tpu.memory_space<vmem>>, vector<1x16xf32>
    %add3A_90 = vector.broadcast %get3A_89 : vector<1x16xf32> to vector<640x16xf32>
    %add3A_91 = arith.addf %div3A_86, %add3A_90 : vector<640x16xf32>
    %swap3A_92 = arith.constant 0 : index
    %swap3A_93 = arith.constant 64 : index
    %swap3A_94 = vector.load %arg6[%swap3A_92, %swap3A_93] : memref<640x128xf32, #tpu.memory_space<vmem>>, vector<640x16xf32>
    tpu.vector_store %arg6[%swap3A_92, %swap3A_93], %add3A_91 {strides = array<i32>} : memref<640x128xf32, #tpu.memory_space<vmem>>, vector<640x16xf32>,
    %slice3A_95 = vector.extract_strided_slice %add3A_11 {offsets = [0, 5], sizes = [640, 1], strides = [1, 1]} : vector<640x16xf32> to vector<640x1xf32>
    %eq3A_96 = arith.constant 0.000000e+00 : f32
    %eq3A_97 = vector.broadcast %eq3A_96 : f32 to vector<640x1xf32>
    %eq3A_98 = arith.cmpf oeq, %slice3A_95, %eq3A_97 : vector<640x1xf32>
    %jit3A_99 = arith.constant 1.000000e+00 : f32
    %broadcast_in_dim3A_100 = vector.broadcast %jit3A_99 : f32 to vector<640x1xf32>
    %select_n3A_101 = arith.select %eq3A_98, %broadcast_in_dim3A_100, %slice3A_95 : vector<640x1xi1>, vector<640x1xf32>
    %slice3A_102 = vector.extract_strided_slice %add3A {offsets = [0, 80], sizes = [640, 16], strides = [1, 1]} : vector<640x128xf32> to vector<640x16xf32>
    %div3A_103 = vector.broadcast %select_n3A_101 : vector<640x1xf32> to vector<640x16xf32>
    %div3A_104 = arith.divf %slice3A_102, %div3A_103 : vector<640x16xf32>
    %get3A_105 = arith.constant 0 : index
    %get3A_106 = arith.constant 80 : index
    %get3A_107 = vector.load %arg5[%get3A_105, %get3A_106] : memref<1x128xf32, #tpu.memory_space<vmem>>, vector<1x16xf32>
    %add3A_108 = vector.broadcast %get3A_107 : vector<1x16xf32> to vector<640x16xf32>
    %add3A_109 = arith.addf %div3A_104, %add3A_108 : vector<640x16xf32>
    %swap3A_110 = arith.constant 0 : index
    %swap3A_111 = arith.constant 80 : index
    %swap3A_112 = vector.load %arg6[%swap3A_110, %swap3A_111] : memref<640x128xf32, #tpu.memory_space<vmem>>, vector<640x16xf32>
    tpu.vector_store %arg6[%swap3A_110, %swap3A_111], %add3A_109 {strides = array<i32>} : memref<640x128xf32, #tpu.memory_space<vmem>>, vector<640x16xf32>,
    %slice3A_113 = vector.extract_strided_slice %add3A_11 {offsets = [0, 6], sizes = [640, 1], strides = [1, 1]} : vector<640x16xf32> to vector<640x1xf32>
    %eq3A_114 = arith.constant 0.000000e+00 : f32
    %eq3A_115 = vector.broadcast %eq3A_114 : f32 to vector<640x1xf32>
    %eq3A_116 = arith.cmpf oeq, %slice3A_113, %eq3A_115 : vector<640x1xf32>
    %jit3A_117 = arith.constant 1.000000e+00 : f32
    %broadcast_in_dim3A_118 = vector.broadcast %jit3A_117 : f32 to vector<640x1xf32>
    %select_n3A_119 = arith.select %eq3A_116, %broadcast_in_dim3A_118, %slice3A_113 : vector<640x1xi1>, vector<640x1xf32>
    %slice3A_120 = vector.extract_strided_slice %add3A {offsets = [0, 96], sizes = [640, 16], strides = [1, 1]} : vector<640x128xf32> to vector<640x16xf32>
    %div3A_121 = vector.broadcast %select_n3A_119 : vector<640x1xf32> to vector<640x16xf32>
    %div3A_122 = arith.divf %slice3A_120, %div3A_121 : vector<640x16xf32>
    %get3A_123 = arith.constant 0 : index
    %get3A_124 = arith.constant 96 : index
    %get3A_125 = vector.load %arg5[%get3A_123, %get3A_124] : memref<1x128xf32, #tpu.memory_space<vmem>>, vector<1x16xf32>
    %add3A_126 = vector.broadcast %get3A_125 : vector<1x16xf32> to vector<640x16xf32>
    %add3A_127 = arith.addf %div3A_122, %add3A_126 : vector<640x16xf32>
    %swap3A_128 = arith.constant 0 : index
    %swap3A_129 = arith.constant 96 : index
    %swap3A_130 = vector.load %arg6[%swap3A_128, %swap3A_129] : memref<640x128xf32, #tpu.memory_space<vmem>>, vector<640x16xf32>
    tpu.vector_store %arg6[%swap3A_128, %swap3A_129], %add3A_127 {strides = array<i32>} : memref<640x128xf32, #tpu.memory_space<vmem>>, vector<640x16xf32>,
    %slice3A_131 = vector.extract_strided_slice %add3A_11 {offsets = [0, 7], sizes = [640, 1], strides = [1, 1]} : vector<640x16xf32> to vector<640x1xf32>
    %eq3A_132 = arith.constant 0.000000e+00 : f32
    %eq3A_133 = vector.broadcast %eq3A_132 : f32 to vector<640x1xf32>
    %eq3A_134 = arith.cmpf oeq, %slice3A_131, %eq3A_133 : vector<640x1xf32>
    %jit3A_135 = arith.constant 1.000000e+00 : f32
    %broadcast_in_dim3A_136 = vector.broadcast %jit3A_135 : f32 to vector<640x1xf32>
    %select_n3A_137 = arith.select %eq3A_134, %broadcast_in_dim3A_136, %slice3A_131 : vector<640x1xi1>, vector<640x1xf32>
    %slice3A_138 = vector.extract_strided_slice %add3A {offsets = [0, 112], sizes = [640, 16], strides = [1, 1]} : vector<640x128xf32> to vector<640x16xf32>
    %div3A_139 = vector.broadcast %select_n3A_137 : vector<640x1xf32> to vector<640x16xf32>
    %div3A_140 = arith.divf %slice3A_138, %div3A_139 : vector<640x16xf32>
    %get3A_141 = arith.constant 0 : index
    %get3A_142 = arith.constant 112 : index
    %get3A_143 = vector.load %arg5[%get3A_141, %get3A_142] : memref<1x128xf32, #tpu.memory_space<vmem>>, vector<1x16xf32>
    %add3A_144 = vector.broadcast %get3A_143 : vector<1x16xf32> to vector<640x16xf32>
    %add3A_145 = arith.addf %div3A_140, %add3A_144 : vector<640x16xf32>
    %swap3A_146 = arith.constant 0 : index
    %swap3A_147 = arith.constant 112 : index
    %swap3A_148 = vector.load %arg6[%swap3A_146, %swap3A_147] : memref<640x128xf32, #tpu.memory_space<vmem>>, vector<640x16xf32>
    tpu.vector_store %arg6[%swap3A_146, %swap3A_147], %add3A_145 {strides = array<i32>} : memref<640x128xf32, #tpu.memory_space<vmem>>, vector<640x16xf32>,
    return
  }
  func.func @transform_0(%arg0: i32) -> (i32, i32) {
    %c0_i32 = arith.constant 0 : i32
    %c0_i32_0 = arith.constant 0 : i32
    return %arg0, %c0_i32 : i32, i32
  }
  func.func @transform_1(%arg0: i32) -> (i32, i32) {
    %c0_i32 = arith.constant 0 : i32
    %c0_i32_0 = arith.constant 0 : i32
    return %arg0, %c0_i32 : i32, i32
  }
  func.func @transform_2(%arg0: i32) -> (i32, i32) {
    %c0_i32 = arith.constant 0 : i32
    %c0_i32_0 = arith.constant 0 : i32
    return %arg0, %c0_i32 : i32, i32
  }
  func.func @transform_3(%arg0: i32) -> (i32, i32) {
    %c0_i32 = arith.constant 0 : i32
    %c0_i32_0 = arith.constant 0 : i32
    return %arg0, %c0_i32 : i32, i32
  }
  func.func @transform_4(%arg0: i32) -> (i32, i32) {
    %c0_i32 = arith.constant 0 : i32
    %c0_i32_0 = arith.constant 0 : i32
    %c0_i32_1 = arith.constant 0 : i32
    return %c0_i32, %c0_i32_0 : i32, i32
  }
  func.func @transform_5(%arg0: i32) -> (i32, i32) {
    %c0_i32 = arith.constant 0 : i32
    %c0_i32_0 = arith.constant 0 : i32
    return %arg0, %c0_i32 : i32, i32
  }
}

</mosaic_0001>

<sc_bundles>
// kernel: kernel.5.cloned.1.call-start
scs
__scs_entry_jumppad:
0x0: {  	(pc) =	sbr.rel $0x88, $3  }
0x1: {  	(tag) =	ssettag $0x0;
	lr =	simm.s32 $0x1  }
0x2: {  	[smem:$0x3F9B] =	sst lr;
	_ =	strace $0xD0000000  }
0x3: {  	_ = 	snop  }
0x4: {  	_ = 	snop  }
0x5: {  	_ = 	snop  }
0x6: {  	_ = 	snop  }
0x7: {  	_ = 	snop  }
__scs_overlays_trampoline_lowered:
0x8: {  	[smem:$0x3FAA] =	sst s0  }
0x9: {  	[smem:$0x3FAB] =	sst s1  }
0xa: {  	[smem:$0x3FAC] =	sst s2  }
0xb: {  	[smem:$0x3FAD] =	sst s3  }
0xc: {  	[smem:$0x3FAE] =	sst s4  }
0xd: {  	[smem:$0x3FAF] =	sst s5  }
0xe: {  	[smem:$0x3FB0] =	sst s6  }
0xf: {  	[smem:$0x3FB1] =	sst s7  }
0x10: {  	[smem:$0x3FB2] =	sst s8  }
0x11: {  	[smem:$0x3FB3] =	sst s9;
	s0 =	simm.s32 @!p0 $0x0  }
0x12: {  	s1 =	sld [smem:$0x3F99];
	s0 =	simm.s32 @p0 $0x1  }
0x13: {  	[smem:$0x3FB4] =	sst s0;
	s0 =	simm.s32 @!p1 $0x0  }
0x14: {  	s2 =	sld [smem:$0x3F98];
	s0 =	simm.s32 @p1 $0x1  }
0x15: {  	[smem:$0x3FB5] =	sst s0;
	s0 =	simm.s32 @!p2 $0x0  }
0x16: {  	s3 =	sld [smem:$0x3FDB];
	s0 =	simm.s32 @p2 $0x1  }
0x17: {  	s4 =	simm.s32 $0x1BF5;
	[smem:$0x3FB7] =	sst s0  }
0x18: {  	s0 =	sld [smem:$0x3F9A];
	_ =	swait.ge [sflag:s4], $0x0  }
0x19: {  	s7 =	sld [smem:$0x3F9B]  }
0x1a: {  	s8 =	sadd.s32 $0xFFFFE003, lr  }
0x1b: {  	s9 =	sadd.s32 $0xFFFFFEF7, lr;
	s5 =	simm.s32 $0xFFFFFFFF;
	p2 =	slt.u32 s8, $0xFFFFF086  }
0x1c: {  	p1 =	slt.u32 s9, $0xF7A;
	s5 =	simm.s32 @!p2 $0x0  }
0x1d: {  	s5 =	simm.s32 @p1 $0x1;
	p0 =	seq.s32 s7, s2  }
0x1e: {  	s7 =	smul.u32 @!p0 $0xF7A, s2;
	p2 =	seq.s32 @!p0 s5, $0x0  }
0x1f: {  	s9 =	smul.u32 $0xF7A, s1;
	s8 =	simm.s32 @!p0 $0x1BF5;
	p2 =	por !p2, p0  }
0x20: {  	[sflag:s8] =	ssyncset.s32 @!p0 $0xFFFFF086;
	s6 =	sadd.s32 @!p0 s3, s7;
	s7 =	simm.s32 @!p0 $0x108  }
0x21: {  	s3 =	sadd.s32 s3, s9;
	s6 =	sadd.s32 @!p0 $0x88, s6;
	s7 =	simm.s32 @p2 $0x1082  }
0x22: {  	[simem:s7], [sflag:s8] =	dma.local @!p0 [hbm:s6], $0xF7A  }
0x23: {  	s9 =	sor.u32 $0xD0000000, s2;
	s6 =	simm.s32 $0x108;
	_ =	swait.ge @!p0 [sflag:s8], $0x0  }
0x24: {  	s3 =	sadd.s32 $0x88, s3;
	s6 =	simm.s32 @!p1 $0x1082;
	[sflag:s4] =	ssyncset.s32 $0xFFFFF086  }
0x25: {  	[simem:s6], [sflag:s4] =	dma.local [hbm:s3], $0xF7A  }
0x26: {  	[smem:$0x3F9B] =	sst s1;
	(tag) =	ssettag s2;
	_ =	strace s9  }
0x27: {  	s1 =	sld [smem:$0x3FAB]  }
0x28: {  	s2 =	sld [smem:$0x3FAC]  }
0x29: {  	s4 =	sld [smem:$0x3FAE]  }
0x2a: {  	p0 =	seq.s32 s5, $0x0;
	s5 =	sld [smem:$0x3FAF]  }
0x2b: {  	s6 =	sld [smem:$0x3FB0]  }
0x2c: {  	s7 =	sld [smem:$0x3FB1]  }
0x2d: {  	s3 =	simm.s32 $0x108;
	s8 =	sld [smem:$0x3FB2]  }
0x2e: {  	s3 =	simm.s32 @!p0 $0x1082;
	s9 =	sld [smem:$0x3FB3]  }
0x2f: {  	lr =	sadd.s32 s0, s3;
	s0 =	sld [smem:$0x3FAA]  }
0x30: {  	s3 =	sld [smem:$0x3FAD]  }
0x31: {  	[smem:$0x3FB6] =	sst s10  }
0x32: {  	s10 =	sld [smem:$0x3FB4];
	_ =	sdelay $0x3  }
0x33: {  	p0 =	seq.s32 s10, $0x1;
	s10 =	sld [smem:$0x3FB6];
	_ =	sdelay $0x3  }
0x34: {  	[smem:$0x3FB6] =	sst s10  }
0x35: {  	s10 =	sld [smem:$0x3FB5];
	_ =	sdelay $0x3  }
0x36: {  	p1 =	seq.s32 s10, $0x1;
	s10 =	sld [smem:$0x3FB6];
	_ =	sdelay $0x3  }
0x37: {  	[smem:$0x3FB6] =	sst s10  }
0x38: {  	s10 =	sld [smem:$0x3FB7]  }
0x39: {  	_ = 	snop;
	(pc) =	sbr.ind lr, $3  }
0x3a: {  	_ = 	snop  }
0x3b: {  	_ = 	snop  }
0x3c: {  	p2 =	seq.s32 s10, $0x1;
	s10 =	sld [smem:$0x3FB6]  }
0x3d: {  	_ =	shalt  }
0x3e: {  	_ =	shalt  }
0x3f: {  	_ =	shalt  }
0x40: {  	_ =	shalt  }
0x41: {  	_ =	shalt  }
0x42: {  	_ =	shalt  }
0x43: {  	_ =	shalt  }
0x44: {  	_ =	shalt  }
0x45: {  	_ =	shalt  }
0x46: {  	_ =	shalt  }
0x47: {  	_ =	shalt  }
0x48: {  	_ =	shalt  }
0x49: {  	_ =	shalt  }
0x4a: {  	_ =	shalt  }
0x4b: {  	_ =	shalt  }
0x4c: {  	_ =	shalt  }
0x4d: {  	_ =	shalt  }
0x4e: {  	_ =	shalt  }
0x4f: {  	_ =	shalt  }
0x50: {  	_ =	shalt  }
0x51: {  	_ =	shalt  }
0x52: {  	_ =	shalt  }
0x53: {  	_ =	shalt  }
0x54: {  	_ =	shalt  }
0x55: {  	_ =	shalt  }
0x56: {  	_ =	shalt  }
0x57: {  	_ =	shalt  }
0x58: {  	_ =	shalt  }
0x59: {  	_ =	shalt  }
0x5a: {  	_ =	shalt  }
0x5b: {  	_ =	shalt  }
0x5c: {  	_ =	shalt  }
0x5d: {  	_ =	shalt  }
0x5e: {  	_ =	shalt  }
0x5f: {  	_ =	shalt  }
0x60: {  	_ =	shalt  }
0x61: {  	_ =	shalt  }
0x62: {  	_ =	shalt  }
0x63: {  	_ =	shalt  }
0x64: {  	_ =	shalt  }
0x65: {  	_ =	shalt  }
0x66: {  	_ =	shalt  }
0x67: {  	_ =	shalt  }
0x68: {  	_ =	shalt  }
0x69: {  	_ =	shalt  }
0x6a: {  	_ =	shalt  }
0x6b: {  	_ =	shalt  }
0x6c: {  	_ =	shalt  }
0x6d: {  	_ =	shalt  }
0x6e: {  	_ =	shalt  }
0x6f: {  	_ =	shalt  }
0x70: {  	_ =	shalt  }
0x71: {  	_ =	shalt  }
0x72: {  	_ =	shalt  }
0x73: {  	_ =	shalt  }
0x74: {  	_ =	shalt  }
0x75: {  	_ =	shalt  }
0x76: {  	_ =	shalt  }
0x77: {  	_ =	shalt  }
0x78: {  	_ =	shalt  }
0x79: {  	_ =	shalt  }
0x7a: {  	_ =	shalt  }
0x7b: {  	_ =	shalt  }
0x7c: {  	_ =	shalt  }
0x7d: {  	_ =	shalt  }
0x7e: {  	_ =	shalt  }
0x7f: {  	_ =	shalt  }
0x80: {  	_ =	shalt  }
0x81: {  	_ =	shalt  }
0x82: {  	_ =	shalt  }
0x83: {  	_ =	shalt  }
0x84: {  	_ =	shalt  }
0x85: {  	_ =	shalt  }
0x86: {  	_ =	shalt  }
0x87: {  	_ =	shalt  }
.Lfunc_end0:
.L_simem_size_0:
called_computation_lowered:
.L_overlay_start_0:
0x88: {  	s2 =	sld [smem:$0x3FD9]  }
0x89: {  	s3 =	sld [smem:$0x3FFE];
	_ =	sdelay $0x1  }
0x8a: {  	s1 =	srdreg.scid  }
0x8b: {  	s0 =	sand.u32 $0x1, s1  }
0x8c: {  	s17 =	sshll.u32 s0, $0xA;
	s2 =	sadd.s32 s3, s2  }
0x8d: {  	s2 =	sadd.s32 s2, s17  }
0x8e: {  	[smem:$0x3FC2] =	sst s2  }
0x8f: {  	_ = 	snop  }
0x90: {  	s2 =	sld [smem:$0x3FD0];
	(tm) =	ssettm $0x1  }
0x91: {  	s18 =	sld [smem:$0x3FFB];
	_ =	sdelay $0x3  }
0x92: {  	_ =	strace s18  }
0x93: {  	s3 =	sld [smem:$0x3FFC];
	_ =	sdelay $0x3  }
0x94: {  	_ =	strace s3  }
0x95: {  	s3 =	sld [smem:$0x3FFD];
	_ =	sdelay $0x3  }
0x96: {  	_ =	strace s3  }
0x97: {  	_ =	strace $0x8FFFFFFF  }
0x98: {  	s19 =	sld [smem:$0x3FDB];
	_ =	sdelay $0x1  }
0x99: {  	s4 =	simm.s32 $_scs_section_size  }
0x9a: {  	s5 =	simm.s32 $_size__tile_overlayer_lowered;
	s6 =	simm.s32 $_tile_overlayer_lowered  }
0x9b: {  	s22 =	simm.s32 $0x1BFF;
	s21 =	sshll.u32 s6, $0x1;
	s3 =	sadd.s32 s4, s19  }
0x9c: {  	s7 =	simm.s32 $0x0;
	s20 =	sshll.u32 s5, $0x1;
	s5 =	sadd.s32 s21, s3  }
0x9d: {  	[timem:s7], [sflag:s22] =	dma.local [hbm:s5], s20  }
0x9e: {  	_ =	swait.ge [sflag:s22], s20  }
0x9f: {  	s4 =	ssub.s32 $0x0, s20;
	[sflag:s22] =	ssyncset.done $0x0  }
0xa0: {  	[sflag:s22] =	ssyncadd.s32 s4;
	_ =	sdelay $0x1  }
0xa1: {  	s23 =	simm.s32 $0x1B8B  }
0xa2: {  	_ =	swait.ge [sflag:s23], $0x1  }
0xa3: {  	[sflag:s23] =	ssyncset.done $0x0  }
0xa4: {  	s25 =	simm.s32 $0x1B8E;
	s24 =	sld [smem:$0x3FFE];
	[sflag:s23] =	ssyncadd.s32 $0xFFFFFFFF  }
0xa5: {  	s26 =	simm.s32 $execute0_lowered;
	[smem:$0x3FD2] =	sst s25  }
0xa6: {  	s5 =	sshll.u32 s26, $0x1;
	_ =	strace $0x80000046;
	[dreg:$0x1] =	wrdreg $0xFFFFFFFF  }
0xa7: {  	s28 =	simm.s32 $_size_execute0_lowered;
	s3 =	sadd.s32 s3, s5;
	[dreg:$0x0] =	wrdreg $0x0  }
0xa8: {  	s5 =	sshll.u32 s28, $0x1;
	[dreg:$0x2] =	wrdreg s3  }
0xa9: {  	[dreg:$0x3] =	wrdreg s5  }
0xaa: {  	[dreg:$0x4] =	wrdreg $0xC0  }
0xab: {  	_ =	task [dreg:s7], $0x5FFFF  }
0xac: {  	[dreg:$0x1] =	wrdreg $0xFFFFFFFF  }
0xad: {  	[dreg:$0x0] =	wrdreg $0x60  }
0xae: {  	[dreg:$0x2] =	wrdreg s24  }
0xaf: {  	[dreg:$0x3] =	wrdreg s2  }
0xb0: {  	[dreg:$0x4] =	wrdreg $0x5FA00  }
0xb1: {  	[dreg:$0x5] =	wrdreg $0x19FA00  }
0xb2: {  	[dreg:$0x6] =	wrdreg $0x9  }
0xb3: {  	_ =	task.clear_ibuf [dreg:s7], $0x7FFFF;
	_ =	strace $0x90000046  }
0xb4: {  	s29 =	simm.s32 $0x9;
	_ =	strace $0x80000048  }
0xb5: {  	_ =	swait.ge [sflag:s29], $0x1  }
0xb6: {  	[sflag:s29] =	ssyncadd.s32 $0xFFFFFFFF  }
0xb7: {  	_ =	strace $0x90000048  }
0xb8: {  	_ =	sfence  }
0xb9: {  	s30 =	sld [smem:$0x0];
	_ =	sdelay $0x2  }
0xba: {  	s31 =	sshll.u32 s1, $0xD;
	s1 =	sshrl.u32 s1, $0x2  }
0xbb: {  	s3 =	sand.u32 $0x4000, s31;
	s1 =	sadd.s32 s1, s30  }
0xbc: {  	s0 =	sor.u32 s3, s0;
	s1 =	sshll.u32 s1, $0x11  }
0xbd: {  	s0 =	sor.u32 s1, s0  }
0xbe: {  	s0 =	sadd.s32 $0x8F2B, s0  }
0xbf: {  	[sflag:s0] =	ssyncadd.remote.s32 $0x1  }
0xc0: {  	_ =	sfence.sel $0xFFFF  }
0xc1: {  	[dreg:$0x0] =	wrdreg $0xFFFFFFFF;
	(pc) =	sbr.abs _section_cstart, $3  }
0xc2: {  	[dreg:$0x1] =	wrdreg $0xFFFFFFFF  }
0xc3: {  	_ =	task.clear_ibuf [dreg:s7], $0x2FFFF;
	_ =	strace $0x9FFFFFFF  }
0xc4: {  	(tm) =	ssettm $0x7FFFFFFF  }
0xc5: {  	_ =	shalt  }
tec
execute0_lowered:
.L_overlay_start_1:
0x0: {  	(tag) =	ssettag $0x1  }
0x1: {  	s0 =	rddreg [dreg:$0x0]  }
0x2: {  	s1 =	rddreg [dreg:$0x1]  }
0x3: {  	s2 =	rddreg [dreg:$0x2]  }
0x4: {  	s3 =	rddreg [dreg:$0x3];
	s5 =	simm.s32 $0x0  }
0x5: {  	s4 =	stileid.u32;
	s8 =	srdreg.scid;
	s20 =	simm.s32 $0x50  }
0x6: {  	s21 =	simm.s32 $0xFA0;
	s22 =	simm.s32 $0xAA0;
	s23 =	simm.s32 $0x37A0  }
0x7: {  	[smem:$0x7FF] =	sst s5;
	s6 =	sadd.s32 $0xB000, s0;
	s10 =	smul.u32 $0x14000, s4  }
0x8: {  	s7 =	sadd.s32 $0x1200, s0;
	s12 =	smul.u32 $0x2800, s4;
	s11 =	sand.u32 $0x1, s8  }
0x9: {  	s8 =	sadd.s32 $0x14E00, s0;
	s9 =	sadd.s32 $0x19E00, s0;
	s29 =	sshll.u32 s4, $0x1  }
0xa: {  	s31 =	sshll.u32 s4, $0x6;
	_ =	strace $0x80000047;
	s13 =	smul.u32 $0x140000, s11  }
0xb: {  	s16 =	smul.u32 $0x28000, s11;
	s17 =	ssub.s32 $0x2, s11;
	s14 =	sshrl.u32 s10, $0x3  }
0xc: {  	s15 =	sshrl.u32 s12, $0x3;
	s28 =	sshrl.u32 s17, $0x1;
	s30 =	sadd.s32 s10, s2  }
0xd: {  	s19 =	sadd.s32 s12, s3;
	s14 =	sadd.s32 s14, s0;
	s15 =	sadd.s32 s15, s0  }
0xe: {  	s13 =	sadd.s32 s10, s13;
	s16 =	sadd.s32 s12, s16;
	s19 =	sshrl.u32 s19, $0x3  }
0xf: {  	s13 =	sshrl.u32 s13, $0x3;
	s26 =	sshrl.u32 s16, $0x3;
	s16 =	ssub.s32 s17, s28  }
0x10: {  	s10 =	sadd.s32 $0x23E00, s14;
	s12 =	sadd.s32 $0x1EE00, s15;
	s17 =	sshrl.u32 s30, $0x3  }
0x11: {  	s18 =	sadd.s32 s13, s0;
	s0 =	sadd.s32 s26, s0;
	s13 =	sor.u32 s11, s29  }
0x12: {  	s11 =	sor.u32 $0x1C01, s31;
	s16 =	smax.u32 s16, $0x1;
	s13 =	smul.u32 $0x2710, s13  }
0x13: {  	s14 =	sadd.s32 $0x4BE00, s18;
	s15 =	sadd.s32 $0x9BE00, s0;
	s18 =	simm.s32 $0x1  }
.LBB2_1:
0x14: {  	[spmem:s17], [sflag:s11] =	dma.local [hbm:s10], $0x2800  }
0x15: {  	_ =	swait.ge [sflag:s18], $0x2800  }
0x16: {  	[sflag:s18] =	ssyncset.done $0x0  }
0x17: {  	[sflag:s18] =	ssyncadd.s32 $0xFFFFD800  }
0x18: {  	[spmem:s19], [sflag:s11] =	dma.local [hbm:s12], $0x500  }
0x19: {  	_ =	swait.ge [sflag:s18], $0x500  }
0x1a: {  	[sflag:s18] =	ssyncset.done $0x0  }
0x1b: {  	[sflag:s18] =	ssyncadd.s32 $0xFFFFFB00  }
0x1c: {  	s24 =	simm.s32 $0x0;
	[bflag:$0x0] =	sbarrier.arrive $0xFFFF  }
.LBB2_2:
0x1d: {  	s0 =	smul.u32 $0x50, s24;
	_ =	sdelay $0x1  }
0x1e: {  	s0 =	sadd.s32 s13, s0  }
0x1f: {  	s0 =	sshrl.u32 s0, $0x3  }
0x20: {  	s28 =	simm.s32 $0x0;
	s25 =	sadd.s32 s6, s0  }
0x21: {  	[tilespmem:s28], [sflag:$0x1] =	stream.linear.gather [hbm4b:s25+s28], $0x50, $0x38;
	[tilespmem:$0x1C7A0] =	vst v63  }
0x22: {  	_ =	swait.ge [sflag:s18], $0x50  }
0x23: {  	[sflag:s18] =	ssyncset.done $0x0  }
0x24: {  	s0 =	sadd.s32 s7, s0;
	[sflag:s18] =	ssyncadd.s32 $0xFFFFFFB0  }
0x25: {  	[tilespmem:s20], [sflag:$0x1] =	stream.linear.gather [hbm4b:s0+s28], $0x50, $0x38;
	[tilespmem:$0x1C7A0] =	vst v63  }
0x26: {  	_ =	swait.ge [sflag:s18], $0x50  }
0x27: {  	[sflag:s18] =	ssyncset.done $0x0  }
0x28: {  	s25 =	simm.s32 $0xA0;
	[sflag:s18] =	ssyncadd.s32 $0xFFFFFFB0  }
0x29: {  	[tilespmem:s25], [sflag:$0x1] =	stream.indirect.gather [hbm4b:s8+s20], $0x10, s28, s20, $0xb8;
	[tilespmem:$0x1C7A0] =	vst v63  }
0x2a: {  	_ =	swait.ge [sflag:s18], $0x500  }
0x2b: {  	[sflag:s18] =	ssyncset.done $0x0  }
0x2c: {  	s26 =	simm.s32 $0x5A0;
	[sflag:s18] =	ssyncadd.s32 $0xFFFFFB00  }
0x2d: {  	[tilespmem:s26], [sflag:$0x1] =	stream.indirect.gather [hbm4b:s9+s20], $0x10, s20, s20, $0xb8;
	[tilespmem:$0x1C7A0] =	vst v63  }
0x2e: {  	_ =	swait.ge [sflag:s18], $0x500  }
0x2f: {  	[sflag:s18] =	ssyncset.done $0x0  }
0x30: {  	[sflag:s18] =	ssyncadd.s32 $0xFFFFFB00  }
0x31: {  	[tilespmem:s21], [sflag:$0x1] =	stream.indirect.gather [hbm4b:s1+s20], $0x80, s28, s20, $0xb8;
	[tilespmem:$0x1C7A0] =	vst v63  }
0x32: {  	_ =	swait.ge [sflag:s18], $0x2800  }
0x33: {  	[sflag:s18] =	ssyncset.done $0x0  }
0x34: {  	[sflag:s18] =	ssyncadd.s32 $0xFFFFD800  }
0x35: {  	v0 =	vld [tilespmem:s25+$0x0]  }
0x36: {  	v1 =	vld [tilespmem:s26+$0x0];
	_ =	sdelay $0x4  }
0x37: {  	v0 =	vadd.f32 v1, v0;
	_ =	sdelay $0x1  }
0x38: {  	v1 =	vmul.f32 $2.000000030e-01, v0;
	_ =	sdelay $0x1  }
0x39: {  	v0 =	vmax.f32 v0, v1  }
0x3a: {  	v0 =	vmul.f32 $1.442695020e+00, v0;
	_ =	sdelay $0x1  }
0x3b: {  	(erf) = vpow2.f32 v0;
	_ =	sdelay $0x4  }
0x3c: {  	s4 =	simm.s32 $0x0  }
0x3d: {  	v0 =	vmov s4;
	_ =	sdelay $0x2  }
0x3e: {  	s28 =	simm.s32 $0xAA0;
	v1 =	vpop (erf)  }
0x3f: {  	[tilespmem:s28+$0x0] =	vst v1  }
0x40: {  	s4 =	simm.s32 $0xFE0;
	v1 =	vld.idx.msk [tilespmem:v0+s22+$0x0], $0xffff  }
0x41: {  	v2 =	vld [tilespmem:s4+$0xFFFFFFC0];
	_ =	sdelay $0x2  }
0x42: {  	v3 =	vor.u32 $0x1, v0;
	_ =	sdelay $0x1  }
0x43: {  	v1 =	vmul.f32 v1, v2  }
0x44: {  	s29 =	simm.s32 $0x37E0  }
0x45: {  	[tilespmem:s29+$0xFFFFFFC0] =	vst v1  }
0x46: {  	v1 =	vld.idx.msk [tilespmem:v3+s22+$0x0], $0xffff  }
0x47: {  	v2 =	vld [tilespmem:s4+$0xFFFFFFD0];
	_ =	sdelay $0x2  }
0x48: {  	v3 =	vor.u32 $0x2, v0;
	_ =	sdelay $0x1  }
0x49: {  	v1 =	vmul.f32 v1, v2;
	_ =	sdelay $0x1  }
0x4a: {  	[tilespmem:s29+$0xFFFFFFD0] =	vst v1  }
0x4b: {  	v1 =	vld.idx.msk [tilespmem:v3+s22+$0x0], $0xffff  }
0x4c: {  	v2 =	vld [tilespmem:s4+$0xFFFFFFE0];
	_ =	sdelay $0x2  }
0x4d: {  	v3 =	vor.u32 $0x3, v0;
	_ =	sdelay $0x1  }
0x4e: {  	v1 =	vmul.f32 v1, v2;
	_ =	sdelay $0x1  }
0x4f: {  	[tilespmem:s29+$0xFFFFFFE0] =	vst v1  }
0x50: {  	v1 =	vld.idx.msk [tilespmem:v3+s22+$0x0], $0xffff  }
0x51: {  	v2 =	vld [tilespmem:s4+$0xFFFFFFF0];
	_ =	sdelay $0x2  }
0x52: {  	v3 =	vor.u32 $0x4, v0;
	_ =	sdelay $0x1  }
0x53: {  	v1 =	vmul.f32 v1, v2;
	_ =	sdelay $0x1  }
0x54: {  	[tilespmem:s29+$0xFFFFFFF0] =	vst v1  }
0x55: {  	v1 =	vld.idx.msk [tilespmem:v3+s22+$0x0], $0xffff  }
0x56: {  	v2 =	vld [tilespmem:s4+$0x0];
	_ =	sdelay $0x2  }
0x57: {  	v3 =	vor.u32 $0x5, v0;
	_ =	sdelay $0x1  }
0x58: {  	v1 =	vmul.f32 v1, v2;
	_ =	sdelay $0x1  }
0x59: {  	[tilespmem:s29+$0x0] =	vst v1  }
0x5a: {  	v1 =	vld.idx.msk [tilespmem:v3+s22+$0x0], $0xffff  }
0x5b: {  	v2 =	vld [tilespmem:s4+$0x10];
	_ =	sdelay $0x2  }
0x5c: {  	v3 =	vor.u32 $0x6, v0;
	_ =	sdelay $0x1  }
0x5d: {  	v1 =	vmul.f32 v1, v2;
	_ =	sdelay $0x1  }
0x5e: {  	[tilespmem:s29+$0x10] =	vst v1  }
0x5f: {  	v1 =	vld.idx.msk [tilespmem:v3+s22+$0x0], $0xffff  }
0x60: {  	v2 =	vld [tilespmem:s4+$0x20];
	_ =	sdelay $0x2  }
0x61: {  	v0 =	vor.u32 $0x7, v0;
	_ =	sdelay $0x1  }
0x62: {  	v1 =	vmul.f32 v1, v2;
	_ =	sdelay $0x1  }
0x63: {  	[tilespmem:s29+$0x20] =	vst v1  }
0x64: {  	v0 =	vld.idx.msk [tilespmem:v0+s22+$0x0], $0xffff  }
0x65: {  	v1 =	vld [tilespmem:s4+$0x30];
	_ =	sdelay $0x4  }
0x66: {  	v0 =	vmul.f32 v0, v1  }
0x67: {  	s30 =	simm.s32 $0x1;
	s31 =	simm.s32 $0x3860;
	s0 =	simm.s32 $0x1060  }
.LBB2_3:
0x68: {  	[tilespmem:s29+$0x30] =	vst v0;
	s28 =	sadd.s32 $0x10, s28;
	s26 =	sadd.s32 $0x10, s26;
	s25 =	sadd.s32 $0x10, s25  }
0x69: {  	p0 =	sne.s32 s30, $0x4F;
	s4 =	smov.u32 s30;
	s30 =	sadd.s32 $0x1, s30;
	v0 =	vld [tilespmem:s25+$0x0]  }
0x6a: {  	s29 =	smov.u32 s31;
	v1 =	vld [tilespmem:s26+$0x0];
	_ =	sdelay $0x4  }
0x6b: {  	v0 =	vadd.f32 v1, v0;
	_ =	sdelay $0x1  }
0x6c: {  	v1 =	vmul.f32 $2.000000030e-01, v0;
	_ =	sdelay $0x1  }
0x6d: {  	v0 =	vmax.f32 v0, v1  }
0x6e: {  	v0 =	vmul.f32 $1.442695020e+00, v0;
	_ =	sdelay $0x1  }
0x6f: {  	(erf) = vpow2.f32 v0;
	_ =	sdelay $0x4  }
0x70: {  	s4 =	sshll.u32 s4, $0x4  }
0x71: {  	v0 =	vmov s4;
	_ =	sdelay $0x2  }
0x72: {  	v1 =	vpop (erf)  }
0x73: {  	[tilespmem:s28+$0x0] =	vst v1  }
0x74: {  	v1 =	vld.idx.msk [tilespmem:v0+s22+$0x0], $0xffff  }
0x75: {  	v2 =	vld [tilespmem:s0+$0xFFFFFFC0];
	_ =	sdelay $0x2  }
0x76: {  	v3 =	vor.u32 $0x1, v0;
	_ =	sdelay $0x1  }
0x77: {  	v1 =	vmul.f32 v1, v2;
	_ =	sdelay $0x1  }
0x78: {  	[tilespmem:s31+$0xFFFFFFC0] =	vst v1  }
0x79: {  	v1 =	vld.idx.msk [tilespmem:v3+s22+$0x0], $0xffff  }
0x7a: {  	v2 =	vld [tilespmem:s0+$0xFFFFFFD0];
	_ =	sdelay $0x2  }
0x7b: {  	v3 =	vor.u32 $0x2, v0;
	_ =	sdelay $0x1  }
0x7c: {  	v1 =	vmul.f32 v1, v2;
	_ =	sdelay $0x1  }
0x7d: {  	[tilespmem:s31+$0xFFFFFFD0] =	vst v1  }
0x7e: {  	v1 =	vld.idx.msk [tilespmem:v3+s22+$0x0], $0xffff  }
0x7f: {  	v2 =	vld [tilespmem:s0+$0xFFFFFFE0];
	_ =	sdelay $0x2  }
0x80: {  	v3 =	vor.u32 $0x3, v0;
	_ =	sdelay $0x1  }
0x81: {  	v1 =	vmul.f32 v1, v2;
	_ =	sdelay $0x1  }
0x82: {  	[tilespmem:s31+$0xFFFFFFE0] =	vst v1  }
0x83: {  	v1 =	vld.idx.msk [tilespmem:v3+s22+$0x0], $0xffff  }
0x84: {  	v2 =	vld [tilespmem:s0+$0xFFFFFFF0];
	_ =	sdelay $0x2  }
0x85: {  	v3 =	vor.u32 $0x4, v0;
	_ =	sdelay $0x1  }
0x86: {  	v1 =	vmul.f32 v1, v2;
	_ =	sdelay $0x1  }
0x87: {  	[tilespmem:s31+$0xFFFFFFF0] =	vst v1  }
0x88: {  	v1 =	vld.idx.msk [tilespmem:v3+s22+$0x0], $0xffff  }
0x89: {  	v2 =	vld [tilespmem:s0+$0x0];
	_ =	sdelay $0x2  }
0x8a: {  	v3 =	vor.u32 $0x5, v0;
	_ =	sdelay $0x1  }
0x8b: {  	v1 =	vmul.f32 v1, v2;
	_ =	sdelay $0x1  }
0x8c: {  	[tilespmem:s31+$0x0] =	vst v1  }
0x8d: {  	v1 =	vld.idx.msk [tilespmem:v3+s22+$0x0], $0xffff  }
0x8e: {  	v2 =	vld [tilespmem:s0+$0x10];
	_ =	sdelay $0x2  }
0x8f: {  	v3 =	vor.u32 $0x6, v0;
	_ =	sdelay $0x1  }
0x90: {  	v1 =	vmul.f32 v1, v2;
	_ =	sdelay $0x1  }
0x91: {  	[tilespmem:s31+$0x10] =	vst v1  }
0x92: {  	v1 =	vld.idx.msk [tilespmem:v3+s22+$0x0], $0xffff  }
0x93: {  	v2 =	vld [tilespmem:s0+$0x20];
	_ =	sdelay $0x2  }
0x94: {  	v0 =	vor.u32 $0x7, v0;
	_ =	sdelay $0x1  }
0x95: {  	v1 =	vmul.f32 v1, v2;
	_ =	sdelay $0x1  }
0x96: {  	[tilespmem:s31+$0x20] =	vst v1  }
0x97: {  	v0 =	vld.idx.msk [tilespmem:v0+s22+$0x0], $0xffff  }
0x98: {  	v1 =	vld [tilespmem:s0+$0x30];
	_ =	sdelay $0x1  }
.Ltmp0:
0x99: {  	(pc) =	sbr.rel @p0 .LBB2_3-.Ltmp0, $3  }
0x9a: {  	_ =	sdelay $0x1  }
0x9b: {  	v0 =	vmul.f32 v0, v1  }
0x9c: {  	s31 =	sadd.s32 $0x80, s31;
	s0 =	sadd.s32 $0x80, s0  }
0x9d: {  	[tilespmem:s29+$0x30] =	vst v0  }
0x9e: {  	[spmem:s3] =	stream.indirect.scatter.add.f32 [tilespmem:s22], [sflag:$0x1], $0x10, s20, s20, $0xb8;
	[tilespmem:$0x1C7A0] =	vst v63  }
0x9f: {  	s24 =	sadd.s32 $0x1, s24;
	_ =	swait.ge [sflag:s18], $0x500  }
0xa0: {  	p0 =	sne.s32 s24, $0x7D;
	[sflag:s18] =	ssyncset.done $0x0  }
.Ltmp1:
0xa1: {  	[sflag:s18] =	ssyncadd.s32 $0xFFFFFB00;
	(pc) =	sbr.rel @p0 .LBB2_2-.Ltmp1, $4  }
0xa2: {  	[spmem:s2] =	stream.indirect.scatter.add.f32 [tilespmem:s23], [sflag:$0x1], $0x80, s20, s20, $0xb8;
	[tilespmem:$0x1C7A0] =	vst v63  }
0xa3: {  	_ =	swait.ge [sflag:s18], $0x2800  }
0xa4: {  	[sflag:s18] =	ssyncset.done $0x0  }
0xa5: {  	[sflag:s18] =	ssyncadd.s32 $0xFFFFD800  }
0xa6: {  	[bflag:$0x0] =	sbarrier.arrive $0xFFFF  }
0xa7: {  	[hbm:s14], [sflag:s11] =	dma.local [spmem:s17], $0x2800  }
0xa8: {  	s5 =	sadd.s32 $0x1, s5;
	_ =	swait.ge [sflag:s18], $0x2800  }
0xa9: {  	p0 =	sne.s32 s5, s16;
	[sflag:s18] =	ssyncset.done $0x0  }
.Ltmp2:
0xaa: {  	[sflag:s18] =	ssyncadd.s32 $0xFFFFD800;
	(pc) =	sbr.rel @p0 .LBB2_1-.Ltmp2, $4  }
0xab: {  	[hbm:s15], [sflag:s11] =	dma.local [spmem:s19], $0x500  }
0xac: {  	_ =	swait.ge [sflag:s18], $0x500  }
0xad: {  	[sflag:s18] =	ssyncset.done $0x0  }
0xae: {  	[sflag:s18] =	ssyncadd.s32 $0xFFFFFB00  }
0xaf: {  	_ =	sfence.sel $0x180000  }
0xb0: {  	[bflag:$0x0] =	sbarrier.arrive $0xFFFF  }
0xb1: {  	_ =	strace $0x90000047  }
0xb2: {  	s0 =	stileid.u32;
	[bflag:$0x2] =	sbarrier.arrive $0xFFFF  }
0xb3: {  	p0 =	sne.s32 s0, $0x0;
	s0 =	rddreg [dreg:$0x4]  }
0xb4: {  	s0 =	sadd.s32 @!p0 $0x100000, s0  }
0xb5: {  	[sflag:s0] =	ssyncadd.tile.s32 @!p0 $0x1;
	_ =	shalt  }
.Lfunc_end2:
_tile_overlayer_lowered:
.L_overlay_start_2:
0xb6: {  	(tag) =	ssettag $0x2  }
0xb7: {  	s0 =	rddreg [dreg:$0x0];
	s2 =	stileid.u32  }
0xb8: {  	s1 =	rddreg [dreg:$0x1];
	p0 =	sne.s32 s2, $0x0  }
0xb9: {  	s3 =	rddreg [dreg:$0x2];
	[bflag:$0x3] =	sbarrier.arrive $0xFFFF;
	s2 =	simm.s32 @!p0 $0x1C01  }
0xba: {  	[timem:s3], [sflag:s2] =	dma.local @!p0 [hbm:s0], s1  }
0xbb: {  	s0 =	simm.s32 @!p0 $0x1  }
0xbc: {  	_ =	swait.ge @!p0 [sflag:s0], s1  }
0xbd: {  	s1 =	ssub.s32 @!p0 $0x0, s1;
	[sflag:s0] =	ssyncset.done @!p0 $0x0  }
0xbe: {  	[sflag:s0] =	ssyncadd.s32 @!p0 s1  }
0xbf: {  	[bflag:$0x3] =	sbarrier.arrive $0xFFFF  }
0xc0: {  	_ =	shalt  }

</sc_bundles>
